<compile_context>
chip_gen: v7x
topology: tpu7x:2x2x1
jax: 0.10.2.dev20260603
libtpu: 0.0.44.dev20260713+nightly
codegen_flags: <defaults>
</compile_context>

<pallas_src>
import functools

import jax
import jax.numpy as jnp
from jax import lax
from jax.experimental import pallas as pl
from jax.experimental.pallas import tpu as pltpu
from jax.experimental.pallas import tpu_sc as plsc

_B, _N, _M, _D = 4, 1024, 1024, 512
_K = 8
_SQ_UNDERFLOW = 11000.0

_NWORKERS = 32
_RPW = _M // _NWORKERS

_GATHER_DNUMS = jax.lax.GatherDimensionNumbers(
    offset_dims=(), collapsed_slice_dims=(0,), start_index_map=(0,))


def _lane_permute(x, perm):
    return jax.lax.gather(
        x, perm[:, None], _GATHER_DNUMS, slice_sizes=(1,),
        mode=jax.lax.GatherScatterMode.PROMISE_IN_BOUNDS)


def _gate_body(vf_ref, af_ref, wv_ref, wa_ref, ev_ref, ea_ref, fl_ref):
    vf = vf_ref[0]
    af = af_ref[0]

    vm = jnp.dot(vf, wv_ref[...], preferred_element_type=jnp.float32)
    am = jnp.dot(af, wa_ref[...], preferred_element_type=jnp.float32)

    v2 = jnp.sum(vm * vm, axis=1, keepdims=True)
    a2 = jnp.sum(am * am, axis=1, keepdims=True)
    cross = jax.lax.dot_general(
        vm, am, (((1,), (1,)), ((), ())),
        preferred_element_type=jnp.float32)

    tmin = jnp.min(v2 - 2.0 * cross, axis=0, keepdims=True)
    sqmin = jnp.min(tmin + a2.reshape(1, _M))
    all_underflow = sqmin > _SQ_UNDERFLOW

    ev_ref[0] = vf[:_K, :]
    ea_ref[0] = af[:_K, :]
    fl_ref[0] = jnp.full((8, 128), jnp.where(all_underflow, 1.0, 0.0),
                         jnp.float32)


def _scores_body(vf_ref, af_ref, wv_ref, wa_ref, s_ref):
    vf = vf_ref[0]
    af = af_ref[0]
    vm = jnp.dot(vf, wv_ref[...], preferred_element_type=jnp.float32)
    am = jnp.dot(af, wa_ref[...], preferred_element_type=jnp.float32)
    v2 = jnp.sum(vm * vm, axis=1, keepdims=True)
    a2 = jnp.sum(am * am, axis=1, keepdims=True)
    cross_t = jax.lax.dot_general(
        am, vm, (((1,), (1,)), ((), ())),
        preferred_element_type=jnp.float32)
    sq = jnp.maximum(a2 + v2.reshape(1, _N) - 2.0 * cross_t, 0.0)
    s_ref[0] = jnp.exp(-jnp.sqrt(sq))


def _sc_topk_body(scores_hbm, out_hbm, row_v, sel_v):
    wid = lax.axis_index("s") * 2 + lax.axis_index("c")
    lane_i = lax.iota(jnp.int32, 16)
    lane = lane_i.astype(jnp.float32)
    fn_pad = jnp.full((16,), float(_N), jnp.float32)

    for b in range(_B):
        def j_body(j, carry):
            m = wid * _RPW + j
            pltpu.sync_copy(scores_hbm.at[b, m], row_v)

            def round_body(r, selvec):
                excl = []
                for rr in range(_K):
                    excl.append(_lane_permute(selvec, jnp.full((16,), rr,
                                                              jnp.int32)))

                def scan_body(c, vi):
                    bv, bi = vi
                    vals = row_v[pl.ds(c * 16, 16)]
                    gidx = lane + (c * 16).astype(jnp.float32)
                    for rr in range(_K):
                        vals = jnp.where(gidx == excl[rr], -4.0, vals)
                    upd = vals > bv
                    return (jnp.where(upd, vals, bv),
                            jnp.where(upd, gidx, bi))
                bv, bi = lax.fori_loop(
                    0, _N // 16, scan_body,
                    (jnp.full((16,), -8.0, jnp.float32), fn_pad))

                for d in (8, 4, 2, 1):
                    perm = (lane_i + d) & 15
                    sv = _lane_permute(bv, perm)
                    si = _lane_permute(bi, perm)
                    upd = (sv > bv) | ((sv == bv) & (si < bi))
                    bv = jnp.where(upd, sv, bv)
                    bi = jnp.where(upd, si, bi)

                return jnp.where(lane == r.astype(jnp.float32), bi, selvec)

            selvec = lax.fori_loop(0, _K, round_body, fn_pad)
            sel_v[...] = selvec.astype(jnp.int32)
            pltpu.sync_copy(sel_v, out_hbm.at[b, m])
            return carry
        lax.fori_loop(0, _RPW, j_body, 0)


def _agg_body(c_ref, vf_ref, af_ref, ev_ref, ea_ref):
    idx2 = c_ref[0]
    iota_nm = jax.lax.broadcasted_iota(jnp.int32, (_M, _N), 1)
    wrows = []
    for k in range(_K):
        col = idx2[:, k:k + 1]
        eq = col == iota_nm
        wrows.append(
            jnp.sum(jnp.where(eq, 1.0, 0.0), axis=0, keepdims=True))
    w = jnp.concatenate(wrows, axis=0)
    inv_m = 1.0 / _M
    ev_ref[0] = jax.lax.dot_general(
        w, vf_ref[0], (((1,), (0,)), ((), ())),
        precision=jax.lax.Precision.HIGHEST,
        preferred_element_type=jnp.float32) * inv_m
    ea_ref[0] = jax.lax.dot_general(
        w, af_ref[0], (((1,), (0,)), ((), ())),
        precision=jax.lax.Precision.HIGHEST,
        preferred_element_type=jnp.float32) * inv_m


def _sc_topk_counts(scores):
    mesh = plsc.VectorSubcoreMesh(core_axis_name="c", subcore_axis_name="s")
    fn = functools.partial(
        pl.kernel, mesh=mesh,
        out_type=jax.ShapeDtypeStruct((_B, _M, 16), jnp.int32),
        scratch_types=[
            pltpu.VMEM((_N,), jnp.float32),
            pltpu.VMEM((16,), jnp.int32),
        ],
    )(_sc_topk_body)
    return fn(scores)


@jax.jit
def kernel(visual_features, audio_features, visual_weights, audio_weights):
    out_kd = jax.ShapeDtypeStruct((_B, _K, _D), jnp.float32)
    feat_spec = pl.BlockSpec((1, _N, _D), lambda b: (b, 0, 0))
    wt_spec = pl.BlockSpec((_D, _D), lambda b: (0, 0))
    out_spec = pl.BlockSpec((1, _K, _D), lambda b: (b, 0, 0))

    evf, eaf, flags = pl.pallas_call(
        _gate_body,
        grid=(_B,),
        in_specs=[feat_spec, feat_spec, wt_spec, wt_spec],
        out_specs=[out_spec, out_spec,
                   pl.BlockSpec((1, 8, 128), lambda b: (b, 0, 0))],
        out_shape=[out_kd, out_kd,
                   jax.ShapeDtypeStruct((_B, 8, 128), jnp.float32)],
    )(visual_features, audio_features, visual_weights, audio_weights)

    all_fast = jnp.all(flags[:, 0, 0] > 0.5)

    def _fast_branch(_):
        return evf, eaf

    def _general_branch(_):
        scores = pl.pallas_call(
            _scores_body,
            grid=(_B,),
            in_specs=[feat_spec, feat_spec, wt_spec, wt_spec],
            out_specs=[pl.BlockSpec((1, _M, _N), lambda b: (b, 0, 0))],
            out_shape=[jax.ShapeDtypeStruct((_B, _M, _N), jnp.float32)],
        )(visual_features, audio_features, visual_weights, audio_weights)[0]

        idxs = _sc_topk_counts(scores)

        ev_g, ea_g = pl.pallas_call(
            _agg_body,
            grid=(_B,),
            in_specs=[
                pl.BlockSpec((1, _M, 16), lambda b: (b, 0, 0)),
                feat_spec, feat_spec,
            ],
            out_specs=[out_spec, out_spec],
            out_shape=[out_kd, out_kd],
        )(idxs, visual_features, audio_features)

        sel = flags[:, :1, :1] > 0.5
        return (jnp.where(sel, evf, ev_g), jnp.where(sel, eaf, ea_g))

    return jax.lax.cond(all_fast, _fast_branch, _general_branch, None)

# --- scband reference (transcript-rebuilt; emitter-appended) ---
"""Pipeline reference for scband-audio-visual-interaction-graph-37142877176065 (READ-ONLY COPY).

The authoritative reference and input builder live on the scoring server;
editing this copy changes nothing except your own understanding.
"""

import jax, jax.numpy as jnp
import numpy as np

B, N, M, D = 4, 1024, 1024, 512
NUM_NEIGHBORS = 8


def setup_inputs(seed: int = 0) -> dict:
    key = jax.random.key(seed)
    k1, k2, k3, k4 = jax.random.split(key, 4)
    return {
        "visual_features": jax.random.normal(k1, (B, N, D), dtype=jnp.float32),
        "audio_features": jax.random.normal(k2, (B, M, D), dtype=jnp.float32),
        "visual_weights": jax.random.uniform(k3, (D, D), dtype=jnp.float32),
        "audio_weights": jax.random.uniform(k4, (D, D), dtype=jnp.float32),
    }


def reference(visual_features, audio_features, visual_weights, audio_weights):
    vm = jnp.matmul(visual_features, visual_weights)  # [B,N,D]
    am = jnp.matmul(audio_features, audio_weights)    # [B,M,D]
    # ||vm_i - am_j||_2 computed via the algebraically-identical expansion
    # ||a-b||^2 = ||a||^2 + ||b||^2 - 2 a.b (avoids materializing [B,N,M,D])
    v2 = jnp.sum(vm * vm, axis=-1)                    # [B,N]
    a2 = jnp.sum(am * am, axis=-1)                    # [B,M]
    cross = jnp.einsum('bnd,bmd->bnm', vm, am)        # [B,N,M]
    sq = jnp.maximum(v2[:, :, None] + a2[:, None, :] - 2.0 * cross, 0.0)
    interaction_graph = jnp.exp(-jnp.sqrt(sq))        # [B,N,M]
    # torch.topk(interaction_graph, k, dim=1) -> top-k over the visual axis
    g = jnp.transpose(interaction_graph, (0, 2, 1))   # [B,M,N]
    _, idx = jax.lax.top_k(g, NUM_NEIGHBORS)          # [B,M,k]
    top_indices = jnp.transpose(idx, (0, 2, 1))       # [B,k,M]
    b_idx = jnp.arange(B)[:, None, None]              # [B,1,1]
    visual_neighbors = visual_features[b_idx, top_indices]  # [B,k,M,D]
    audio_neighbors = audio_features[b_idx, top_indices]    # [B,k,M,D]
    enhanced_visual_features = jnp.mean(visual_neighbors, axis=2)  # [B,k,D]
    enhanced_audio_features = jnp.mean(audio_neighbors, axis=2)    # [B,k,D]
    return (enhanced_visual_features, enhanced_audio_features)

if __name__ == "__main__":
    import jax
    _d = setup_inputs()
    print(jax.jit(kernel)(*tuple(_d.values())))

</pallas_src>

<mosaic_0001>
#map = affine_map<(d0, d1) -> (0, 0, 0)>
module attributes {stable_mosaic.version = 14 : i64} {
  func.func @_sc_topk_body(%arg0: i32, %arg1: i32, %arg2: memref<4x1024x1024xf32, #tpu.memory_space<hbm>>, %arg3: memref<4x1024x16xi32, #tpu.memory_space<hbm>>, %arg4: memref<1024xf32, #tpu.memory_space<vmem>>, %arg5: memref<16xi32, #tpu.memory_space<vmem>>) attributes {dimension_semantics = [#tpu.dimension_semantics<core_parallel>, #tpu.dimension_semantics<subcore_parallel>], iteration_bounds = array<i64: 2, 16>, scalar_prefetch = 0 : i64, scratch_operands = 2 : i64, tpu.core_type = #tpu.core_type<sc_vector_subcore>, window_params = [{transform_indices = #map}, {transform_indices = #map}]} {
    %mul3A = arith.constant 2 : i32
    %mul3A_0 = arith.muli %arg1, %mul3A : i32
    %add3A = arith.addi %mul3A_0, %arg0 : i32
    %iota3A = tpu.iota {dimensions = array<i32: 0>} : vector<16xi32>
    %convert_element_type3A = arith.sitofp %iota3A : vector<16xi32> to vector<16xf32>
    %broadcast_in_dim3A = arith.constant 1.024000e+03 : f32
    %broadcast_in_dim3A_1 = vector.broadcast %broadcast_in_dim3A : f32 to vector<16xf32>
    %scan3A = arith.constant 0 : i32
    %scan3A_2 = arith.constant 0 : i32
    %scan3A_3 = arith.constant 32 : i32
    %scan3A_4 = arith.addi %scan3A_2, %scan3A_3 : i32
    %scan3A_5 = arith.constant 1 : i32
    scf.for %scan3A_25 = %scan3A_2 to %scan3A_4 step %scan3A_5  : i32 {
      %mul3A_26 = arith.constant 32 : i32
      %mul3A_27 = arith.muli %add3A, %mul3A_26 : i32
      %add3A_28 = arith.addi %mul3A_27, %scan3A_25 : i32
      %run_scoped3A = arith.constant 0 : i32
      "tpu.region"() ({
        %run_scoped3A_40 = tpu.sem_alloc : memref<!tpu.dma_semaphore, #tpu.memory_space<semaphore_mem>>
        %dma_start3A = arith.constant 0 : i32
        %dma_start3A_41 = tpu.memref_slice %arg2[%run_scoped3A, %add3A_28, %dma_start3A] : memref<4x1024x1024xf32, #tpu.memory_space<hbm>> -> memref<1x1x1024xf32, #tpu.memory_space<hbm>>
        %dma_start3A_42 = tpu.memref_squeeze %dma_start3A_41 : memref<1x1x1024xf32, #tpu.memory_space<hbm>> -> memref<1024xf32, #tpu.memory_space<hbm>>
        %dma_start3A_43 = arith.constant 0 : i32
        %dma_start3A_44 = tpu.memref_slice %arg2[%run_scoped3A, %add3A_28, %dma_start3A_43] : memref<4x1024x1024xf32, #tpu.memory_space<hbm>> -> memref<1x1x1024xf32, #tpu.memory_space<hbm>>
        %dma_start3A_45 = tpu.memref_squeeze %dma_start3A_44 : memref<1x1x1024xf32, #tpu.memory_space<hbm>> -> memref<1024xf32, #tpu.memory_space<hbm>>
        tpu.enqueue_dma source(%dma_start3A_45 : memref<1024xf32, #tpu.memory_space<hbm>>) target(%arg4 : memref<1024xf32, #tpu.memory_space<vmem>>) target_semaphore(%run_scoped3A_40 : memref<!tpu.dma_semaphore, #tpu.memory_space<semaphore_mem>>)
        %dma_wait3A = arith.constant 0 : i32
        %dma_wait3A_46 = tpu.memref_slice %arg2[%run_scoped3A, %add3A_28, %dma_wait3A] : memref<4x1024x1024xf32, #tpu.memory_space<hbm>> -> memref<1x1x1024xf32, #tpu.memory_space<hbm>>
        %dma_wait3A_47 = tpu.memref_squeeze %dma_wait3A_46 : memref<1x1x1024xf32, #tpu.memory_space<hbm>> -> memref<1024xf32, #tpu.memory_space<hbm>>
        %dma_wait3A_48 = arith.constant 0 : i32
        %dma_wait3A_49 = tpu.memref_slice %arg2[%run_scoped3A, %add3A_28, %dma_wait3A_48] : memref<4x1024x1024xf32, #tpu.memory_space<hbm>> -> memref<1x1x1024xf32, #tpu.memory_space<hbm>>
        %dma_wait3A_50 = tpu.memref_squeeze %dma_wait3A_49 : memref<1x1x1024xf32, #tpu.memory_space<hbm>> -> memref<1024xf32, #tpu.memory_space<hbm>>
        tpu.wait_dma2 semaphore(%run_scoped3A_40 : memref<!tpu.dma_semaphore, #tpu.memory_space<semaphore_mem>>) src(%dma_wait3A_50 : memref<1024xf32, #tpu.memory_space<hbm>>) dst(%arg4 : memref<1024xf32, #tpu.memory_space<vmem>>)
        tpu.yield
      }) : () -> ()
      %scan3A_29 = arith.constant 0 : i32
      %scan3A_30 = arith.constant 8 : i32
      %scan3A_31 = arith.addi %scan3A_29, %scan3A_30 : i32
      %scan3A_32 = arith.constant 1 : i32
      %scan3A_33 = scf.for %scan3A_40 = %scan3A_29 to %scan3A_31 step %scan3A_32 iter_args(%scan3A_41 = %broadcast_in_dim3A_1) -> (vector<16xf32>)  : i32 {
        %broadcast_in_dim3A_42 = arith.constant 0 : i32
        %broadcast_in_dim3A_43 = vector.broadcast %broadcast_in_dim3A_42 : i32 to vector<16xi32>
        %broadcast_in_dim3A_44 = vector.shape_cast %broadcast_in_dim3A_43 : vector<16xi32> to vector<16x1xi32>
        %gather3A = vector.shape_cast %broadcast_in_dim3A_44 : vector<16x1xi32> to vector<16xi32>
        %gather3A_45 = tpu.dynamic_gather %scan3A_41[%gather3A] in [0] : vector<16xf32>, vector<16xi32> -> vector<16xf32>
        %broadcast_in_dim3A_46 = arith.constant 1 : i32
        %broadcast_in_dim3A_47 = vector.broadcast %broadcast_in_dim3A_46 : i32 to vector<16xi32>
        %broadcast_in_dim3A_48 = vector.shape_cast %broadcast_in_dim3A_47 : vector<16xi32> to vector<16x1xi32>
        %gather3A_49 = vector.shape_cast %broadcast_in_dim3A_48 : vector<16x1xi32> to vector<16xi32>
        %gather3A_50 = tpu.dynamic_gather %scan3A_41[%gather3A_49] in [0] : vector<16xf32>, vector<16xi32> -> vector<16xf32>
        %broadcast_in_dim3A_51 = arith.constant 2 : i32
        %broadcast_in_dim3A_52 = vector.broadcast %broadcast_in_dim3A_51 : i32 to vector<16xi32>
        %broadcast_in_dim3A_53 = vector.shape_cast %broadcast_in_dim3A_52 : vector<16xi32> to vector<16x1xi32>
        %gather3A_54 = vector.shape_cast %broadcast_in_dim3A_53 : vector<16x1xi32> to vector<16xi32>
        %gather3A_55 = tpu.dynamic_gather %scan3A_41[%gather3A_54] in [0] : vector<16xf32>, vector<16xi32> -> vector<16xf32>
        %broadcast_in_dim3A_56 = arith.constant 3 : i32
        %broadcast_in_dim3A_57 = vector.broadcast %broadcast_in_dim3A_56 : i32 to vector<16xi32>
        %broadcast_in_dim3A_58 = vector.shape_cast %broadcast_in_dim3A_57 : vector<16xi32> to vector<16x1xi32>
        %gather3A_59 = vector.shape_cast %broadcast_in_dim3A_58 : vector<16x1xi32> to vector<16xi32>
        %gather3A_60 = tpu.dynamic_gather %scan3A_41[%gather3A_59] in [0] : vector<16xf32>, vector<16xi32> -> vector<16xf32>
        %broadcast_in_dim3A_61 = arith.constant 4 : i32
        %broadcast_in_dim3A_62 = vector.broadcast %broadcast_in_dim3A_61 : i32 to vector<16xi32>
        %broadcast_in_dim3A_63 = vector.shape_cast %broadcast_in_dim3A_62 : vector<16xi32> to vector<16x1xi32>
        %gather3A_64 = vector.shape_cast %broadcast_in_dim3A_63 : vector<16x1xi32> to vector<16xi32>
        %gather3A_65 = tpu.dynamic_gather %scan3A_41[%gather3A_64] in [0] : vector<16xf32>, vector<16xi32> -> vector<16xf32>
        %broadcast_in_dim3A_66 = arith.constant 5 : i32
        %broadcast_in_dim3A_67 = vector.broadcast %broadcast_in_dim3A_66 : i32 to vector<16xi32>
        %broadcast_in_dim3A_68 = vector.shape_cast %broadcast_in_dim3A_67 : vector<16xi32> to vector<16x1xi32>
        %gather3A_69 = vector.shape_cast %broadcast_in_dim3A_68 : vector<16x1xi32> to vector<16xi32>
        %gather3A_70 = tpu.dynamic_gather %scan3A_41[%gather3A_69] in [0] : vector<16xf32>, vector<16xi32> -> vector<16xf32>
        %broadcast_in_dim3A_71 = arith.constant 6 : i32
        %broadcast_in_dim3A_72 = vector.broadcast %broadcast_in_dim3A_71 : i32 to vector<16xi32>
        %broadcast_in_dim3A_73 = vector.shape_cast %broadcast_in_dim3A_72 : vector<16xi32> to vector<16x1xi32>
        %gather3A_74 = vector.shape_cast %broadcast_in_dim3A_73 : vector<16x1xi32> to vector<16xi32>
        %gather3A_75 = tpu.dynamic_gather %scan3A_41[%gather3A_74] in [0] : vector<16xf32>, vector<16xi32> -> vector<16xf32>
        %broadcast_in_dim3A_76 = arith.constant 7 : i32
        %broadcast_in_dim3A_77 = vector.broadcast %broadcast_in_dim3A_76 : i32 to vector<16xi32>
        %broadcast_in_dim3A_78 = vector.shape_cast %broadcast_in_dim3A_77 : vector<16xi32> to vector<16x1xi32>
        %gather3A_79 = vector.shape_cast %broadcast_in_dim3A_78 : vector<16x1xi32> to vector<16xi32>
        %gather3A_80 = tpu.dynamic_gather %scan3A_41[%gather3A_79] in [0] : vector<16xf32>, vector<16xi32> -> vector<16xf32>
        %broadcast_in_dim3A_81 = arith.constant -8.000000e+00 : f32
        %broadcast_in_dim3A_82 = vector.broadcast %broadcast_in_dim3A_81 : f32 to vector<16xf32>
        %scan3A_83 = arith.constant 0 : i32
        %scan3A_84 = arith.constant 64 : i32
        %scan3A_85 = arith.addi %scan3A_83, %scan3A_84 : i32
        %scan3A_86 = arith.constant 1 : i32
        %scan3A_87:2 = scf.for %scan3A_163 = %scan3A_83 to %scan3A_85 step %scan3A_86 iter_args(%scan3A_164 = %broadcast_in_dim3A_82, %scan3A_165 = %broadcast_in_dim3A_1) -> (vector<16xf32>, vector<16xf32>)  : i32 {
          %mul3A_166 = arith.constant 16 : i32
          %mul3A_167 = arith.muli %scan3A_163, %mul3A_166 : i32
          %get3A = arith.index_cast %mul3A_167 : i32 to index
          %get3A_168 = tpu.vector_load %arg4[%get3A] {strides = array<i32>} : memref<1024xf32, #tpu.memory_space<vmem>>, vector<16xf32>,
          %get3A_169 = vector.shape_cast %get3A_168 : vector<16xf32> to vector<16xf32>
          %mul3A_170 = arith.constant 16 : i32
          %mul3A_171 = arith.muli %scan3A_163, %mul3A_170 : i32
          %convert_element_type3A_172 = arith.sitofp %mul3A_171 : i32 to f32
          %add3A_173 = vector.broadcast %convert_element_type3A_172 : f32 to vector<16xf32>
          %add3A_174 = arith.addf %convert_element_type3A, %add3A_173 : vector<16xf32>
          %eq3A_175 = arith.cmpf oeq, %add3A_174, %gather3A_45 : vector<16xf32>
          %jit3A = arith.constant -4.000000e+00 : f32
          %broadcast_in_dim3A_176 = vector.broadcast %jit3A : f32 to vector<16xf32>
          %select_n3A_177 = arith.select %eq3A_175, %broadcast_in_dim3A_176, %get3A_169 : vector<16xi1>, vector<16xf32>
          %eq3A_178 = arith.cmpf oeq, %add3A_174, %gather3A_50 : vector<16xf32>
          %jit3A_179 = arith.constant -4.000000e+00 : f32
          %broadcast_in_dim3A_180 = vector.broadcast %jit3A_179 : f32 to vector<16xf32>
          %select_n3A_181 = arith.select %eq3A_178, %broadcast_in_dim3A_180, %select_n3A_177 : vector<16xi1>, vector<16xf32>
          %eq3A_182 = arith.cmpf oeq, %add3A_174, %gather3A_55 : vector<16xf32>
          %jit3A_183 = arith.constant -4.000000e+00 : f32
          %broadcast_in_dim3A_184 = vector.broadcast %jit3A_183 : f32 to vector<16xf32>
          %select_n3A_185 = arith.select %eq3A_182, %broadcast_in_dim3A_184, %select_n3A_181 : vector<16xi1>, vector<16xf32>
          %eq3A_186 = arith.cmpf oeq, %add3A_174, %gather3A_60 : vector<16xf32>
          %jit3A_187 = arith.constant -4.000000e+00 : f32
          %broadcast_in_dim3A_188 = vector.broadcast %jit3A_187 : f32 to vector<16xf32>
          %select_n3A_189 = arith.select %eq3A_186, %broadcast_in_dim3A_188, %select_n3A_185 : vector<16xi1>, vector<16xf32>
          %eq3A_190 = arith.cmpf oeq, %add3A_174, %gather3A_65 : vector<16xf32>
          %jit3A_191 = arith.constant -4.000000e+00 : f32
          %broadcast_in_dim3A_192 = vector.broadcast %jit3A_191 : f32 to vector<16xf32>
          %select_n3A_193 = arith.select %eq3A_190, %broadcast_in_dim3A_192, %select_n3A_189 : vector<16xi1>, vector<16xf32>
          %eq3A_194 = arith.cmpf oeq, %add3A_174, %gather3A_70 : vector<16xf32>
          %jit3A_195 = arith.constant -4.000000e+00 : f32
          %broadcast_in_dim3A_196 = vector.broadcast %jit3A_195 : f32 to vector<16xf32>
          %select_n3A_197 = arith.select %eq3A_194, %broadcast_in_dim3A_196, %select_n3A_193 : vector<16xi1>, vector<16xf32>
          %eq3A_198 = arith.cmpf oeq, %add3A_174, %gather3A_75 : vector<16xf32>
          %jit3A_199 = arith.constant -4.000000e+00 : f32
          %broadcast_in_dim3A_200 = vector.broadcast %jit3A_199 : f32 to vector<16xf32>
          %select_n3A_201 = arith.select %eq3A_198, %broadcast_in_dim3A_200, %select_n3A_197 : vector<16xi1>, vector<16xf32>
          %eq3A_202 = arith.cmpf oeq, %add3A_174, %gather3A_80 : vector<16xf32>
          %jit3A_203 = arith.constant -4.000000e+00 : f32
          %broadcast_in_dim3A_204 = vector.broadcast %jit3A_203 : f32 to vector<16xf32>
          %select_n3A_205 = arith.select %eq3A_202, %broadcast_in_dim3A_204, %select_n3A_201 : vector<16xi1>, vector<16xf32>
          %gt3A_206 = arith.cmpf ogt, %select_n3A_205, %scan3A_164 : vector<16xf32>
          %select_n3A_207 = arith.select %gt3A_206, %select_n3A_205, %scan3A_164 : vector<16xi1>, vector<16xf32>
          %select_n3A_208 = arith.select %gt3A_206, %add3A_174, %scan3A_165 : vector<16xi1>, vector<16xf32>
          scf.yield %select_n3A_207, %select_n3A_208 : vector<16xf32>, vector<16xf32>
        }
        %scan3A_88 = arith.constant 64 : i32
        %add3A_89 = arith.constant 8 : i32
        %add3A_90 = vector.broadcast %add3A_89 : i32 to vector<16xi32>
        %add3A_91 = arith.addi %iota3A, %add3A_90 : vector<16xi32>
        %and3A = arith.constant 15 : i32
        %and3A_92 = vector.broadcast %and3A : i32 to vector<16xi32>
        %and3A_93 = arith.andi %add3A_91, %and3A_92 : vector<16xi32>
        %broadcast_in_dim3A_94 = vector.shape_cast %and3A_93 : vector<16xi32> to vector<16x1xi32>
        %gather3A_95 = vector.shape_cast %broadcast_in_dim3A_94 : vector<16x1xi32> to vector<16xi32>
        %gather3A_96 = tpu.dynamic_gather %scan3A_87#0[%gather3A_95] in [0] : vector<16xf32>, vector<16xi32> -> vector<16xf32>
        %broadcast_in_dim3A_97 = vector.shape_cast %and3A_93 : vector<16xi32> to vector<16x1xi32>
        %gather3A_98 = vector.shape_cast %broadcast_in_dim3A_97 : vector<16x1xi32> to vector<16xi32>
        %gather3A_99 = tpu.dynamic_gather %scan3A_87#1[%gather3A_98] in [0] : vector<16xf32>, vector<16xi32> -> vector<16xf32>
        %gt3A = arith.cmpf ogt, %gather3A_96, %scan3A_87#0 : vector<16xf32>
        %eq3A = arith.cmpf oeq, %gather3A_96, %scan3A_87#0 : vector<16xf32>
        %lt3A = arith.cmpf olt, %gather3A_99, %scan3A_87#1 : vector<16xf32>
        %and3A_100 = arith.andi %eq3A, %lt3A : vector<16xi1>
        %or3A = arith.ori %gt3A, %and3A_100 : vector<16xi1>
        %select_n3A = arith.select %or3A, %gather3A_96, %scan3A_87#0 : vector<16xi1>, vector<16xf32>
        %select_n3A_101 = arith.select %or3A, %gather3A_99, %scan3A_87#1 : vector<16xi1>, vector<16xf32>
        %add3A_102 = arith.constant 4 : i32
        %add3A_103 = vector.broadcast %add3A_102 : i32 to vector<16xi32>
        %add3A_104 = arith.addi %iota3A, %add3A_103 : vector<16xi32>
        %and3A_105 = arith.constant 15 : i32
        %and3A_106 = vector.broadcast %and3A_105 : i32 to vector<16xi32>
        %and3A_107 = arith.andi %add3A_104, %and3A_106 : vector<16xi32>
        %broadcast_in_dim3A_108 = vector.shape_cast %and3A_107 : vector<16xi32> to vector<16x1xi32>
        %gather3A_109 = vector.shape_cast %broadcast_in_dim3A_108 : vector<16x1xi32> to vector<16xi32>
        %gather3A_110 = tpu.dynamic_gather %select_n3A[%gather3A_109] in [0] : vector<16xf32>, vector<16xi32> -> vector<16xf32>
        %broadcast_in_dim3A_111 = vector.shape_cast %and3A_107 : vector<16xi32> to vector<16x1xi32>
        %gather3A_112 = vector.shape_cast %broadcast_in_dim3A_111 : vector<16x1xi32> to vector<16xi32>
        %gather3A_113 = tpu.dynamic_gather %select_n3A_101[%gather3A_112] in [0] : vector<16xf32>, vector<16xi32> -> vector<16xf32>
        %gt3A_114 = arith.cmpf ogt, %gather3A_110, %select_n3A : vector<16xf32>
        %eq3A_115 = arith.cmpf oeq, %gather3A_110, %select_n3A : vector<16xf32>
        %lt3A_116 = arith.cmpf olt, %gather3A_113, %select_n3A_101 : vector<16xf32>
        %and3A_117 = arith.andi %eq3A_115, %lt3A_116 : vector<16xi1>
        %or3A_118 = arith.ori %gt3A_114, %and3A_117 : vector<16xi1>
        %select_n3A_119 = arith.select %or3A_118, %gather3A_110, %select_n3A : vector<16xi1>, vector<16xf32>
        %select_n3A_120 = arith.select %or3A_118, %gather3A_113, %select_n3A_101 : vector<16xi1>, vector<16xf32>
        %add3A_121 = arith.constant 2 : i32
        %add3A_122 = vector.broadcast %add3A_121 : i32 to vector<16xi32>
        %add3A_123 = arith.addi %iota3A, %add3A_122 : vector<16xi32>
        %and3A_124 = arith.constant 15 : i32
        %and3A_125 = vector.broadcast %and3A_124 : i32 to vector<16xi32>
        %and3A_126 = arith.andi %add3A_123, %and3A_125 : vector<16xi32>
        %broadcast_in_dim3A_127 = vector.shape_cast %and3A_126 : vector<16xi32> to vector<16x1xi32>
        %gather3A_128 = vector.shape_cast %broadcast_in_dim3A_127 : vector<16x1xi32> to vector<16xi32>
        %gather3A_129 = tpu.dynamic_gather %select_n3A_119[%gather3A_128] in [0] : vector<16xf32>, vector<16xi32> -> vector<16xf32>
        %broadcast_in_dim3A_130 = vector.shape_cast %and3A_126 : vector<16xi32> to vector<16x1xi32>
        %gather3A_131 = vector.shape_cast %broadcast_in_dim3A_130 : vector<16x1xi32> to vector<16xi32>
        %gather3A_132 = tpu.dynamic_gather %select_n3A_120[%gather3A_131] in [0] : vector<16xf32>, vector<16xi32> -> vector<16xf32>
        %gt3A_133 = arith.cmpf ogt, %gather3A_129, %select_n3A_119 : vector<16xf32>
        %eq3A_134 = arith.cmpf oeq, %gather3A_129, %select_n3A_119 : vector<16xf32>
        %lt3A_135 = arith.cmpf olt, %gather3A_132, %select_n3A_120 : vector<16xf32>
        %and3A_136 = arith.andi %eq3A_134, %lt3A_135 : vector<16xi1>
        %or3A_137 = arith.ori %gt3A_133, %and3A_136 : vector<16xi1>
        %select_n3A_138 = arith.select %or3A_137, %gather3A_129, %select_n3A_119 : vector<16xi1>, vector<16xf32>
        %select_n3A_139 = arith.select %or3A_137, %gather3A_132, %select_n3A_120 : vector<16xi1>, vector<16xf32>
        %add3A_140 = arith.constant 1 : i32
        %add3A_141 = vector.broadcast %add3A_140 : i32 to vector<16xi32>
        %add3A_142 = arith.addi %iota3A, %add3A_141 : vector<16xi32>
        %and3A_143 = arith.constant 15 : i32
        %and3A_144 = vector.broadcast %and3A_143 : i32 to vector<16xi32>
        %and3A_145 = arith.andi %add3A_142, %and3A_144 : vector<16xi32>
        %broadcast_in_dim3A_146 = vector.shape_cast %and3A_145 : vector<16xi32> to vector<16x1xi32>
        %gather3A_147 = vector.shape_cast %broadcast_in_dim3A_146 : vector<16x1xi32> to vector<16xi32>
        %gather3A_148 = tpu.dynamic_gather %select_n3A_138[%gather3A_147] in [0] : vector<16xf32>, vector<16xi32> -> vector<16xf32>
        %broadcast_in_dim3A_149 = vector.shape_cast %and3A_145 : vector<16xi32> to vector<16x1xi32>
        %gather3A_150 = vector.shape_cast %broadcast_in_dim3A_149 : vector<16x1xi32> to vector<16xi32>
        %gather3A_151 = tpu.dynamic_gather %select_n3A_139[%gather3A_150] in [0] : vector<16xf32>, vector<16xi32> -> vector<16xf32>
        %gt3A_152 = arith.cmpf ogt, %gather3A_148, %select_n3A_138 : vector<16xf32>
        %eq3A_153 = arith.cmpf oeq, %gather3A_148, %select_n3A_138 : vector<16xf32>
        %lt3A_154 = arith.cmpf olt, %gather3A_151, %select_n3A_139 : vector<16xf32>
        %and3A_155 = arith.andi %eq3A_153, %lt3A_154 : vector<16xi1>
        %or3A_156 = arith.ori %gt3A_152, %and3A_155 : vector<16xi1>
        %select_n3A_157 = arith.select %or3A_156, %gather3A_148, %select_n3A_138 : vector<16xi1>, vector<16xf32>
        %select_n3A_158 = arith.select %or3A_156, %gather3A_151, %select_n3A_139 : vector<16xi1>, vector<16xf32>
        %convert_element_type3A_159 = arith.sitofp %scan3A_40 : i32 to f32
        %eq3A_160 = vector.broadcast %convert_element_type3A_159 : f32 to vector<16xf32>
        %eq3A_161 = arith.cmpf oeq, %convert_element_type3A, %eq3A_160 : vector<16xf32>
        %select_n3A_162 = arith.select %eq3A_161, %select_n3A_158, %scan3A_41 : vector<16xi1>, vector<16xf32>
        scf.yield %select_n3A_162 : vector<16xf32>
      }
      %scan3A_34 = arith.constant 8 : i32
      %convert_element_type3A_35 = arith.fptosi %scan3A_33 : vector<16xf32> to vector<16xi32>
      %swap3A = arith.constant 0 : index
      %swap3A_36 = tpu.vector_load %arg5[%swap3A] {strides = array<i32>} : memref<16xi32, #tpu.memory_space<vmem>>, vector<16xi32>,
      %swap3A_37 = vector.shape_cast %swap3A_36 : vector<16xi32> to vector<16xi32>
      %swap3A_38 = vector.shape_cast %convert_element_type3A_35 : vector<16xi32> to vector<16xi32>
      tpu.vector_store %arg5[%swap3A], %swap3A_38 {strides = array<i32>} : memref<16xi32, #tpu.memory_space<vmem>>, vector<16xi32>,
      %run_scoped3A_39 = arith.constant 0 : i32
      "tpu.region"() ({
        %run_scoped3A_40 = tpu.sem_alloc : memref<!tpu.dma_semaphore, #tpu.memory_space<semaphore_mem>>
        %dma_start3A = arith.constant 0 : i32
        %dma_start3A_41 = tpu.memref_slice %arg3[%run_scoped3A_39, %add3A_28, %dma_start3A] : memref<4x1024x16xi32, #tpu.memory_space<hbm>> -> memref<1x1x16xi32, #tpu.memory_space<hbm>>
        %dma_start3A_42 = tpu.memref_squeeze %dma_start3A_41 : memref<1x1x16xi32, #tpu.memory_space<hbm>> -> memref<16xi32, #tpu.memory_space<hbm>>
        %dma_start3A_43 = arith.constant 0 : i32
        %dma_start3A_44 = tpu.memref_slice %arg3[%run_scoped3A_39, %add3A_28, %dma_start3A_43] : memref<4x1024x16xi32, #tpu.memory_space<hbm>> -> memref<1x1x16xi32, #tpu.memory_space<hbm>>
        %dma_start3A_45 = tpu.memref_squeeze %dma_start3A_44 : memref<1x1x16xi32, #tpu.memory_space<hbm>> -> memref<16xi32, #tpu.memory_space<hbm>>
        tpu.enqueue_dma source(%arg5 : memref<16xi32, #tpu.memory_space<vmem>>) target(%dma_start3A_45 : memref<16xi32, #tpu.memory_space<hbm>>) target_semaphore(%run_scoped3A_40 : memref<!tpu.dma_semaphore, #tpu.memory_space<semaphore_mem>>)
        %dma_wait3A = arith.constant 0 : i32
        %dma_wait3A_46 = tpu.memref_slice %arg3[%run_scoped3A_39, %add3A_28, %dma_wait3A] : memref<4x1024x16xi32, #tpu.memory_space<hbm>> -> memref<1x1x16xi32, #tpu.memory_space<hbm>>
        %dma_wait3A_47 = tpu.memref_squeeze %dma_wait3A_46 : memref<1x1x16xi32, #tpu.memory_space<hbm>> -> memref<16xi32, #tpu.memory_space<hbm>>
        %dma_wait3A_48 = arith.constant 0 : i32
        %dma_wait3A_49 = tpu.memref_slice %arg3[%run_scoped3A_39, %add3A_28, %dma_wait3A_48] : memref<4x1024x16xi32, #tpu.memory_space<hbm>> -> memref<1x1x16xi32, #tpu.memory_space<hbm>>
        %dma_wait3A_50 = tpu.memref_squeeze %dma_wait3A_49 : memref<1x1x16xi32, #tpu.memory_space<hbm>> -> memref<16xi32, #tpu.memory_space<hbm>>
        tpu.wait_dma2 semaphore(%run_scoped3A_40 : memref<!tpu.dma_semaphore, #tpu.memory_space<semaphore_mem>>) src(%arg5 : memref<16xi32, #tpu.memory_space<vmem>>) dst(%dma_wait3A_50 : memref<16xi32, #tpu.memory_space<hbm>>)
        tpu.yield
      }) : () -> ()
    }
    %scan3A_6 = arith.constant 32 : i32
    %scan3A_7 = arith.constant 0 : i32
    %scan3A_8 = arith.constant 0 : i32
    %scan3A_9 = arith.constant 32 : i32
    %scan3A_10 = arith.addi %scan3A_8, %scan3A_9 : i32
    %scan3A_11 = arith.constant 1 : i32
    scf.for %scan3A_25 = %scan3A_8 to %scan3A_10 step %scan3A_11  : i32 {
      %mul3A_26 = arith.constant 32 : i32
      %mul3A_27 = arith.muli %add3A, %mul3A_26 : i32
      %add3A_28 = arith.addi %mul3A_27, %scan3A_25 : i32
      %run_scoped3A = arith.constant 1 : i32
      "tpu.region"() ({
        %run_scoped3A_40 = tpu.sem_alloc : memref<!tpu.dma_semaphore, #tpu.memory_space<semaphore_mem>>
        %dma_start3A = arith.constant 0 : i32
        %dma_start3A_41 = tpu.memref_slice %arg2[%run_scoped3A, %add3A_28, %dma_start3A] : memref<4x1024x1024xf32, #tpu.memory_space<hbm>> -> memref<1x1x1024xf32, #tpu.memory_space<hbm>>
        %dma_start3A_42 = tpu.memref_squeeze %dma_start3A_41 : memref<1x1x1024xf32, #tpu.memory_space<hbm>> -> memref<1024xf32, #tpu.memory_space<hbm>>
        %dma_start3A_43 = arith.constant 0 : i32
        %dma_start3A_44 = tpu.memref_slice %arg2[%run_scoped3A, %add3A_28, %dma_start3A_43] : memref<4x1024x1024xf32, #tpu.memory_space<hbm>> -> memref<1x1x1024xf32, #tpu.memory_space<hbm>>
        %dma_start3A_45 = tpu.memref_squeeze %dma_start3A_44 : memref<1x1x1024xf32, #tpu.memory_space<hbm>> -> memref<1024xf32, #tpu.memory_space<hbm>>
        tpu.enqueue_dma source(%dma_start3A_45 : memref<1024xf32, #tpu.memory_space<hbm>>) target(%arg4 : memref<1024xf32, #tpu.memory_space<vmem>>) target_semaphore(%run_scoped3A_40 : memref<!tpu.dma_semaphore, #tpu.memory_space<semaphore_mem>>)
        %dma_wait3A = arith.constant 0 : i32
        %dma_wait3A_46 = tpu.memref_slice %arg2[%run_scoped3A, %add3A_28, %dma_wait3A] : memref<4x1024x1024xf32, #tpu.memory_space<hbm>> -> memref<1x1x1024xf32, #tpu.memory_space<hbm>>
        %dma_wait3A_47 = tpu.memref_squeeze %dma_wait3A_46 : memref<1x1x1024xf32, #tpu.memory_space<hbm>> -> memref<1024xf32, #tpu.memory_space<hbm>>
        %dma_wait3A_48 = arith.constant 0 : i32
        %dma_wait3A_49 = tpu.memref_slice %arg2[%run_scoped3A, %add3A_28, %dma_wait3A_48] : memref<4x1024x1024xf32, #tpu.memory_space<hbm>> -> memref<1x1x1024xf32, #tpu.memory_space<hbm>>
        %dma_wait3A_50 = tpu.memref_squeeze %dma_wait3A_49 : memref<1x1x1024xf32, #tpu.memory_space<hbm>> -> memref<1024xf32, #tpu.memory_space<hbm>>
        tpu.wait_dma2 semaphore(%run_scoped3A_40 : memref<!tpu.dma_semaphore, #tpu.memory_space<semaphore_mem>>) src(%dma_wait3A_50 : memref<1024xf32, #tpu.memory_space<hbm>>) dst(%arg4 : memref<1024xf32, #tpu.memory_space<vmem>>)
        tpu.yield
      }) : () -> ()
      %scan3A_29 = arith.constant 0 : i32
      %scan3A_30 = arith.constant 8 : i32
      %scan3A_31 = arith.addi %scan3A_29, %scan3A_30 : i32
      %scan3A_32 = arith.constant 1 : i32
      %scan3A_33 = scf.for %scan3A_40 = %scan3A_29 to %scan3A_31 step %scan3A_32 iter_args(%scan3A_41 = %broadcast_in_dim3A_1) -> (vector<16xf32>)  : i32 {
        %broadcast_in_dim3A_42 = arith.constant 0 : i32
        %broadcast_in_dim3A_43 = vector.broadcast %broadcast_in_dim3A_42 : i32 to vector<16xi32>
        %broadcast_in_dim3A_44 = vector.shape_cast %broadcast_in_dim3A_43 : vector<16xi32> to vector<16x1xi32>
        %gather3A = vector.shape_cast %broadcast_in_dim3A_44 : vector<16x1xi32> to vector<16xi32>
        %gather3A_45 = tpu.dynamic_gather %scan3A_41[%gather3A] in [0] : vector<16xf32>, vector<16xi32> -> vector<16xf32>
        %broadcast_in_dim3A_46 = arith.constant 1 : i32
        %broadcast_in_dim3A_47 = vector.broadcast %broadcast_in_dim3A_46 : i32 to vector<16xi32>
        %broadcast_in_dim3A_48 = vector.shape_cast %broadcast_in_dim3A_47 : vector<16xi32> to vector<16x1xi32>
        %gather3A_49 = vector.shape_cast %broadcast_in_dim3A_48 : vector<16x1xi32> to vector<16xi32>
        %gather3A_50 = tpu.dynamic_gather %scan3A_41[%gather3A_49] in [0] : vector<16xf32>, vector<16xi32> -> vector<16xf32>
        %broadcast_in_dim3A_51 = arith.constant 2 : i32
        %broadcast_in_dim3A_52 = vector.broadcast %broadcast_in_dim3A_51 : i32 to vector<16xi32>
        %broadcast_in_dim3A_53 = vector.shape_cast %broadcast_in_dim3A_52 : vector<16xi32> to vector<16x1xi32>
        %gather3A_54 = vector.shape_cast %broadcast_in_dim3A_53 : vector<16x1xi32> to vector<16xi32>
        %gather3A_55 = tpu.dynamic_gather %scan3A_41[%gather3A_54] in [0] : vector<16xf32>, vector<16xi32> -> vector<16xf32>
        %broadcast_in_dim3A_56 = arith.constant 3 : i32
        %broadcast_in_dim3A_57 = vector.broadcast %broadcast_in_dim3A_56 : i32 to vector<16xi32>
        %broadcast_in_dim3A_58 = vector.shape_cast %broadcast_in_dim3A_57 : vector<16xi32> to vector<16x1xi32>
        %gather3A_59 = vector.shape_cast %broadcast_in_dim3A_58 : vector<16x1xi32> to vector<16xi32>
        %gather3A_60 = tpu.dynamic_gather %scan3A_41[%gather3A_59] in [0] : vector<16xf32>, vector<16xi32> -> vector<16xf32>
        %broadcast_in_dim3A_61 = arith.constant 4 : i32
        %broadcast_in_dim3A_62 = vector.broadcast %broadcast_in_dim3A_61 : i32 to vector<16xi32>
        %broadcast_in_dim3A_63 = vector.shape_cast %broadcast_in_dim3A_62 : vector<16xi32> to vector<16x1xi32>
        %gather3A_64 = vector.shape_cast %broadcast_in_dim3A_63 : vector<16x1xi32> to vector<16xi32>
        %gather3A_65 = tpu.dynamic_gather %scan3A_41[%gather3A_64] in [0] : vector<16xf32>, vector<16xi32> -> vector<16xf32>
        %broadcast_in_dim3A_66 = arith.constant 5 : i32
        %broadcast_in_dim3A_67 = vector.broadcast %broadcast_in_dim3A_66 : i32 to vector<16xi32>
        %broadcast_in_dim3A_68 = vector.shape_cast %broadcast_in_dim3A_67 : vector<16xi32> to vector<16x1xi32>
        %gather3A_69 = vector.shape_cast %broadcast_in_dim3A_68 : vector<16x1xi32> to vector<16xi32>
        %gather3A_70 = tpu.dynamic_gather %scan3A_41[%gather3A_69] in [0] : vector<16xf32>, vector<16xi32> -> vector<16xf32>
        %broadcast_in_dim3A_71 = arith.constant 6 : i32
        %broadcast_in_dim3A_72 = vector.broadcast %broadcast_in_dim3A_71 : i32 to vector<16xi32>
        %broadcast_in_dim3A_73 = vector.shape_cast %broadcast_in_dim3A_72 : vector<16xi32> to vector<16x1xi32>
        %gather3A_74 = vector.shape_cast %broadcast_in_dim3A_73 : vector<16x1xi32> to vector<16xi32>
        %gather3A_75 = tpu.dynamic_gather %scan3A_41[%gather3A_74] in [0] : vector<16xf32>, vector<16xi32> -> vector<16xf32>
        %broadcast_in_dim3A_76 = arith.constant 7 : i32
        %broadcast_in_dim3A_77 = vector.broadcast %broadcast_in_dim3A_76 : i32 to vector<16xi32>
        %broadcast_in_dim3A_78 = vector.shape_cast %broadcast_in_dim3A_77 : vector<16xi32> to vector<16x1xi32>
        %gather3A_79 = vector.shape_cast %broadcast_in_dim3A_78 : vector<16x1xi32> to vector<16xi32>
        %gather3A_80 = tpu.dynamic_gather %scan3A_41[%gather3A_79] in [0] : vector<16xf32>, vector<16xi32> -> vector<16xf32>
        %broadcast_in_dim3A_81 = arith.constant -8.000000e+00 : f32
        %broadcast_in_dim3A_82 = vector.broadcast %broadcast_in_dim3A_81 : f32 to vector<16xf32>
        %scan3A_83 = arith.constant 0 : i32
        %scan3A_84 = arith.constant 64 : i32
        %scan3A_85 = arith.addi %scan3A_83, %scan3A_84 : i32
        %scan3A_86 = arith.constant 1 : i32
        %scan3A_87:2 = scf.for %scan3A_163 = %scan3A_83 to %scan3A_85 step %scan3A_86 iter_args(%scan3A_164 = %broadcast_in_dim3A_82, %scan3A_165 = %broadcast_in_dim3A_1) -> (vector<16xf32>, vector<16xf32>)  : i32 {
          %mul3A_166 = arith.constant 16 : i32
          %mul3A_167 = arith.muli %scan3A_163, %mul3A_166 : i32
          %get3A = arith.index_cast %mul3A_167 : i32 to index
          %get3A_168 = tpu.vector_load %arg4[%get3A] {strides = array<i32>} : memref<1024xf32, #tpu.memory_space<vmem>>, vector<16xf32>,
          %get3A_169 = vector.shape_cast %get3A_168 : vector<16xf32> to vector<16xf32>
          %mul3A_170 = arith.constant 16 : i32
          %mul3A_171 = arith.muli %scan3A_163, %mul3A_170 : i32
          %convert_element_type3A_172 = arith.sitofp %mul3A_171 : i32 to f32
          %add3A_173 = vector.broadcast %convert_element_type3A_172 : f32 to vector<16xf32>
          %add3A_174 = arith.addf %convert_element_type3A, %add3A_173 : vector<16xf32>
          %eq3A_175 = arith.cmpf oeq, %add3A_174, %gather3A_45 : vector<16xf32>
          %jit3A = arith.constant -4.000000e+00 : f32
          %broadcast_in_dim3A_176 = vector.broadcast %jit3A : f32 to vector<16xf32>
          %select_n3A_177 = arith.select %eq3A_175, %broadcast_in_dim3A_176, %get3A_169 : vector<16xi1>, vector<16xf32>
          %eq3A_178 = arith.cmpf oeq, %add3A_174, %gather3A_50 : vector<16xf32>
          %jit3A_179 = arith.constant -4.000000e+00 : f32
          %broadcast_in_dim3A_180 = vector.broadcast %jit3A_179 : f32 to vector<16xf32>
          %select_n3A_181 = arith.select %eq3A_178, %broadcast_in_dim3A_180, %select_n3A_177 : vector<16xi1>, vector<16xf32>
          %eq3A_182 = arith.cmpf oeq, %add3A_174, %gather3A_55 : vector<16xf32>
          %jit3A_183 = arith.constant -4.000000e+00 : f32
          %broadcast_in_dim3A_184 = vector.broadcast %jit3A_183 : f32 to vector<16xf32>
          %select_n3A_185 = arith.select %eq3A_182, %broadcast_in_dim3A_184, %select_n3A_181 : vector<16xi1>, vector<16xf32>
          %eq3A_186 = arith.cmpf oeq, %add3A_174, %gather3A_60 : vector<16xf32>
          %jit3A_187 = arith.constant -4.000000e+00 : f32
          %broadcast_in_dim3A_188 = vector.broadcast %jit3A_187 : f32 to vector<16xf32>
          %select_n3A_189 = arith.select %eq3A_186, %broadcast_in_dim3A_188, %select_n3A_185 : vector<16xi1>, vector<16xf32>
          %eq3A_190 = arith.cmpf oeq, %add3A_174, %gather3A_65 : vector<16xf32>
          %jit3A_191 = arith.constant -4.000000e+00 : f32
          %broadcast_in_dim3A_192 = vector.broadcast %jit3A_191 : f32 to vector<16xf32>
          %select_n3A_193 = arith.select %eq3A_190, %broadcast_in_dim3A_192, %select_n3A_189 : vector<16xi1>, vector<16xf32>
          %eq3A_194 = arith.cmpf oeq, %add3A_174, %gather3A_70 : vector<16xf32>
          %jit3A_195 = arith.constant -4.000000e+00 : f32
          %broadcast_in_dim3A_196 = vector.broadcast %jit3A_195 : f32 to vector<16xf32>
          %select_n3A_197 = arith.select %eq3A_194, %broadcast_in_dim3A_196, %select_n3A_193 : vector<16xi1>, vector<16xf32>
          %eq3A_198 = arith.cmpf oeq, %add3A_174, %gather3A_75 : vector<16xf32>
          %jit3A_199 = arith.constant -4.000000e+00 : f32
          %broadcast_in_dim3A_200 = vector.broadcast %jit3A_199 : f32 to vector<16xf32>
          %select_n3A_201 = arith.select %eq3A_198, %broadcast_in_dim3A_200, %select_n3A_197 : vector<16xi1>, vector<16xf32>
          %eq3A_202 = arith.cmpf oeq, %add3A_174, %gather3A_80 : vector<16xf32>
          %jit3A_203 = arith.constant -4.000000e+00 : f32
          %broadcast_in_dim3A_204 = vector.broadcast %jit3A_203 : f32 to vector<16xf32>
          %select_n3A_205 = arith.select %eq3A_202, %broadcast_in_dim3A_204, %select_n3A_201 : vector<16xi1>, vector<16xf32>
          %gt3A_206 = arith.cmpf ogt, %select_n3A_205, %scan3A_164 : vector<16xf32>
          %select_n3A_207 = arith.select %gt3A_206, %select_n3A_205, %scan3A_164 : vector<16xi1>, vector<16xf32>
          %select_n3A_208 = arith.select %gt3A_206, %add3A_174, %scan3A_165 : vector<16xi1>, vector<16xf32>
          scf.yield %select_n3A_207, %select_n3A_208 : vector<16xf32>, vector<16xf32>
        }
        %scan3A_88 = arith.constant 64 : i32
        %add3A_89 = arith.constant 8 : i32
        %add3A_90 = vector.broadcast %add3A_89 : i32 to vector<16xi32>
        %add3A_91 = arith.addi %iota3A, %add3A_90 : vector<16xi32>
        %and3A = arith.constant 15 : i32
        %and3A_92 = vector.broadcast %and3A : i32 to vector<16xi32>
        %and3A_93 = arith.andi %add3A_91, %and3A_92 : vector<16xi32>
        %broadcast_in_dim3A_94 = vector.shape_cast %and3A_93 : vector<16xi32> to vector<16x1xi32>
        %gather3A_95 = vector.shape_cast %broadcast_in_dim3A_94 : vector<16x1xi32> to vector<16xi32>
        %gather3A_96 = tpu.dynamic_gather %scan3A_87#0[%gather3A_95] in [0] : vector<16xf32>, vector<16xi32> -> vector<16xf32>
        %broadcast_in_dim3A_97 = vector.shape_cast %and3A_93 : vector<16xi32> to vector<16x1xi32>
        %gather3A_98 = vector.shape_cast %broadcast_in_dim3A_97 : vector<16x1xi32> to vector<16xi32>
        %gather3A_99 = tpu.dynamic_gather %scan3A_87#1[%gather3A_98] in [0] : vector<16xf32>, vector<16xi32> -> vector<16xf32>
        %gt3A = arith.cmpf ogt, %gather3A_96, %scan3A_87#0 : vector<16xf32>
        %eq3A = arith.cmpf oeq, %gather3A_96, %scan3A_87#0 : vector<16xf32>
        %lt3A = arith.cmpf olt, %gather3A_99, %scan3A_87#1 : vector<16xf32>
        %and3A_100 = arith.andi %eq3A, %lt3A : vector<16xi1>
        %or3A = arith.ori %gt3A, %and3A_100 : vector<16xi1>
        %select_n3A = arith.select %or3A, %gather3A_96, %scan3A_87#0 : vector<16xi1>, vector<16xf32>
        %select_n3A_101 = arith.select %or3A, %gather3A_99, %scan3A_87#1 : vector<16xi1>, vector<16xf32>
        %add3A_102 = arith.constant 4 : i32
        %add3A_103 = vector.broadcast %add3A_102 : i32 to vector<16xi32>
        %add3A_104 = arith.addi %iota3A, %add3A_103 : vector<16xi32>
        %and3A_105 = arith.constant 15 : i32
        %and3A_106 = vector.broadcast %and3A_105 : i32 to vector<16xi32>
        %and3A_107 = arith.andi %add3A_104, %and3A_106 : vector<16xi32>
        %broadcast_in_dim3A_108 = vector.shape_cast %and3A_107 : vector<16xi32> to vector<16x1xi32>
        %gather3A_109 = vector.shape_cast %broadcast_in_dim3A_108 : vector<16x1xi32> to vector<16xi32>
        %gather3A_110 = tpu.dynamic_gather %select_n3A[%gather3A_109] in [0] : vector<16xf32>, vector<16xi32> -> vector<16xf32>
        %broadcast_in_dim3A_111 = vector.shape_cast %and3A_107 : vector<16xi32> to vector<16x1xi32>
        %gather3A_112 = vector.shape_cast %broadcast_in_dim3A_111 : vector<16x1xi32> to vector<16xi32>
        %gather3A_113 = tpu.dynamic_gather %select_n3A_101[%gather3A_112] in [0] : vector<16xf32>, vector<16xi32> -> vector<16xf32>
        %gt3A_114 = arith.cmpf ogt, %gather3A_110, %select_n3A : vector<16xf32>
        %eq3A_115 = arith.cmpf oeq, %gather3A_110, %select_n3A : vector<16xf32>
        %lt3A_116 = arith.cmpf olt, %gather3A_113, %select_n3A_101 : vector<16xf32>
        %and3A_117 = arith.andi %eq3A_115, %lt3A_116 : vector<16xi1>
        %or3A_118 = arith.ori %gt3A_114, %and3A_117 : vector<16xi1>
        %select_n3A_119 = arith.select %or3A_118, %gather3A_110, %select_n3A : vector<16xi1>, vector<16xf32>
        %select_n3A_120 = arith.select %or3A_118, %gather3A_113, %select_n3A_101 : vector<16xi1>, vector<16xf32>
        %add3A_121 = arith.constant 2 : i32
        %add3A_122 = vector.broadcast %add3A_121 : i32 to vector<16xi32>
        %add3A_123 = arith.addi %iota3A, %add3A_122 : vector<16xi32>
        %and3A_124 = arith.constant 15 : i32
        %and3A_125 = vector.broadcast %and3A_124 : i32 to vector<16xi32>
        %and3A_126 = arith.andi %add3A_123, %and3A_125 : vector<16xi32>
        %broadcast_in_dim3A_127 = vector.shape_cast %and3A_126 : vector<16xi32> to vector<16x1xi32>
        %gather3A_128 = vector.shape_cast %broadcast_in_dim3A_127 : vector<16x1xi32> to vector<16xi32>
        %gather3A_129 = tpu.dynamic_gather %select_n3A_119[%gather3A_128] in [0] : vector<16xf32>, vector<16xi32> -> vector<16xf32>
        %broadcast_in_dim3A_130 = vector.shape_cast %and3A_126 : vector<16xi32> to vector<16x1xi32>
        %gather3A_131 = vector.shape_cast %broadcast_in_dim3A_130 : vector<16x1xi32> to vector<16xi32>
        %gather3A_132 = tpu.dynamic_gather %select_n3A_120[%gather3A_131] in [0] : vector<16xf32>, vector<16xi32> -> vector<16xf32>
        %gt3A_133 = arith.cmpf ogt, %gather3A_129, %select_n3A_119 : vector<16xf32>
        %eq3A_134 = arith.cmpf oeq, %gather3A_129, %select_n3A_119 : vector<16xf32>
        %lt3A_135 = arith.cmpf olt, %gather3A_132, %select_n3A_120 : vector<16xf32>
        %and3A_136 = arith.andi %eq3A_134, %lt3A_135 : vector<16xi1>
        %or3A_137 = arith.ori %gt3A_133, %and3A_136 : vector<16xi1>
        %select_n3A_138 = arith.select %or3A_137, %gather3A_129, %select_n3A_119 : vector<16xi1>, vector<16xf32>
        %select_n3A_139 = arith.select %or3A_137, %gather3A_132, %select_n3A_120 : vector<16xi1>, vector<16xf32>
        %add3A_140 = arith.constant 1 : i32
        %add3A_141 = vector.broadcast %add3A_140 : i32 to vector<16xi32>
        %add3A_142 = arith.addi %iota3A, %add3A_141 : vector<16xi32>
        %and3A_143 = arith.constant 15 : i32
        %and3A_144 = vector.broadcast %and3A_143 : i32 to vector<16xi32>
        %and3A_145 = arith.andi %add3A_142, %and3A_144 : vector<16xi32>
        %broadcast_in_dim3A_146 = vector.shape_cast %and3A_145 : vector<16xi32> to vector<16x1xi32>
        %gather3A_147 = vector.shape_cast %broadcast_in_dim3A_146 : vector<16x1xi32> to vector<16xi32>
        %gather3A_148 = tpu.dynamic_gather %select_n3A_138[%gather3A_147] in [0] : vector<16xf32>, vector<16xi32> -> vector<16xf32>
        %broadcast_in_dim3A_149 = vector.shape_cast %and3A_145 : vector<16xi32> to vector<16x1xi32>
        %gather3A_150 = vector.shape_cast %broadcast_in_dim3A_149 : vector<16x1xi32> to vector<16xi32>
        %gather3A_151 = tpu.dynamic_gather %select_n3A_139[%gather3A_150] in [0] : vector<16xf32>, vector<16xi32> -> vector<16xf32>
        %gt3A_152 = arith.cmpf ogt, %gather3A_148, %select_n3A_138 : vector<16xf32>
        %eq3A_153 = arith.cmpf oeq, %gather3A_148, %select_n3A_138 : vector<16xf32>
        %lt3A_154 = arith.cmpf olt, %gather3A_151, %select_n3A_139 : vector<16xf32>
        %and3A_155 = arith.andi %eq3A_153, %lt3A_154 : vector<16xi1>
        %or3A_156 = arith.ori %gt3A_152, %and3A_155 : vector<16xi1>
        %select_n3A_157 = arith.select %or3A_156, %gather3A_148, %select_n3A_138 : vector<16xi1>, vector<16xf32>
        %select_n3A_158 = arith.select %or3A_156, %gather3A_151, %select_n3A_139 : vector<16xi1>, vector<16xf32>
        %convert_element_type3A_159 = arith.sitofp %scan3A_40 : i32 to f32
        %eq3A_160 = vector.broadcast %convert_element_type3A_159 : f32 to vector<16xf32>
        %eq3A_161 = arith.cmpf oeq, %convert_element_type3A, %eq3A_160 : vector<16xf32>
        %select_n3A_162 = arith.select %eq3A_161, %select_n3A_158, %scan3A_41 : vector<16xi1>, vector<16xf32>
        scf.yield %select_n3A_162 : vector<16xf32>
      }
      %scan3A_34 = arith.constant 8 : i32
      %convert_element_type3A_35 = arith.fptosi %scan3A_33 : vector<16xf32> to vector<16xi32>
      %swap3A = arith.constant 0 : index
      %swap3A_36 = tpu.vector_load %arg5[%swap3A] {strides = array<i32>} : memref<16xi32, #tpu.memory_space<vmem>>, vector<16xi32>,
      %swap3A_37 = vector.shape_cast %swap3A_36 : vector<16xi32> to vector<16xi32>
      %swap3A_38 = vector.shape_cast %convert_element_type3A_35 : vector<16xi32> to vector<16xi32>
      tpu.vector_store %arg5[%swap3A], %swap3A_38 {strides = array<i32>} : memref<16xi32, #tpu.memory_space<vmem>>, vector<16xi32>,
      %run_scoped3A_39 = arith.constant 1 : i32
      "tpu.region"() ({
        %run_scoped3A_40 = tpu.sem_alloc : memref<!tpu.dma_semaphore, #tpu.memory_space<semaphore_mem>>
        %dma_start3A = arith.constant 0 : i32
        %dma_start3A_41 = tpu.memref_slice %arg3[%run_scoped3A_39, %add3A_28, %dma_start3A] : memref<4x1024x16xi32, #tpu.memory_space<hbm>> -> memref<1x1x16xi32, #tpu.memory_space<hbm>>
        %dma_start3A_42 = tpu.memref_squeeze %dma_start3A_41 : memref<1x1x16xi32, #tpu.memory_space<hbm>> -> memref<16xi32, #tpu.memory_space<hbm>>
        %dma_start3A_43 = arith.constant 0 : i32
        %dma_start3A_44 = tpu.memref_slice %arg3[%run_scoped3A_39, %add3A_28, %dma_start3A_43] : memref<4x1024x16xi32, #tpu.memory_space<hbm>> -> memref<1x1x16xi32, #tpu.memory_space<hbm>>
        %dma_start3A_45 = tpu.memref_squeeze %dma_start3A_44 : memref<1x1x16xi32, #tpu.memory_space<hbm>> -> memref<16xi32, #tpu.memory_space<hbm>>
        tpu.enqueue_dma source(%arg5 : memref<16xi32, #tpu.memory_space<vmem>>) target(%dma_start3A_45 : memref<16xi32, #tpu.memory_space<hbm>>) target_semaphore(%run_scoped3A_40 : memref<!tpu.dma_semaphore, #tpu.memory_space<semaphore_mem>>)
        %dma_wait3A = arith.constant 0 : i32
        %dma_wait3A_46 = tpu.memref_slice %arg3[%run_scoped3A_39, %add3A_28, %dma_wait3A] : memref<4x1024x16xi32, #tpu.memory_space<hbm>> -> memref<1x1x16xi32, #tpu.memory_space<hbm>>
        %dma_wait3A_47 = tpu.memref_squeeze %dma_wait3A_46 : memref<1x1x16xi32, #tpu.memory_space<hbm>> -> memref<16xi32, #tpu.memory_space<hbm>>
        %dma_wait3A_48 = arith.constant 0 : i32
        %dma_wait3A_49 = tpu.memref_slice %arg3[%run_scoped3A_39, %add3A_28, %dma_wait3A_48] : memref<4x1024x16xi32, #tpu.memory_space<hbm>> -> memref<1x1x16xi32, #tpu.memory_space<hbm>>
        %dma_wait3A_50 = tpu.memref_squeeze %dma_wait3A_49 : memref<1x1x16xi32, #tpu.memory_space<hbm>> -> memref<16xi32, #tpu.memory_space<hbm>>
        tpu.wait_dma2 semaphore(%run_scoped3A_40 : memref<!tpu.dma_semaphore, #tpu.memory_space<semaphore_mem>>) src(%arg5 : memref<16xi32, #tpu.memory_space<vmem>>) dst(%dma_wait3A_50 : memref<16xi32, #tpu.memory_space<hbm>>)
        tpu.yield
      }) : () -> ()
    }
    %scan3A_12 = arith.constant 32 : i32
    %scan3A_13 = arith.constant 0 : i32
    %scan3A_14 = arith.constant 0 : i32
    %scan3A_15 = arith.constant 32 : i32
    %scan3A_16 = arith.addi %scan3A_14, %scan3A_15 : i32
    %scan3A_17 = arith.constant 1 : i32
    scf.for %scan3A_25 = %scan3A_14 to %scan3A_16 step %scan3A_17  : i32 {
      %mul3A_26 = arith.constant 32 : i32
      %mul3A_27 = arith.muli %add3A, %mul3A_26 : i32
      %add3A_28 = arith.addi %mul3A_27, %scan3A_25 : i32
      %run_scoped3A = arith.constant 2 : i32
      "tpu.region"() ({
        %run_scoped3A_40 = tpu.sem_alloc : memref<!tpu.dma_semaphore, #tpu.memory_space<semaphore_mem>>
        %dma_start3A = arith.constant 0 : i32
        %dma_start3A_41 = tpu.memref_slice %arg2[%run_scoped3A, %add3A_28, %dma_start3A] : memref<4x1024x1024xf32, #tpu.memory_space<hbm>> -> memref<1x1x1024xf32, #tpu.memory_space<hbm>>
        %dma_start3A_42 = tpu.memref_squeeze %dma_start3A_41 : memref<1x1x1024xf32, #tpu.memory_space<hbm>> -> memref<1024xf32, #tpu.memory_space<hbm>>
        %dma_start3A_43 = arith.constant 0 : i32
        %dma_start3A_44 = tpu.memref_slice %arg2[%run_scoped3A, %add3A_28, %dma_start3A_43] : memref<4x1024x1024xf32, #tpu.memory_space<hbm>> -> memref<1x1x1024xf32, #tpu.memory_space<hbm>>
        %dma_start3A_45 = tpu.memref_squeeze %dma_start3A_44 : memref<1x1x1024xf32, #tpu.memory_space<hbm>> -> memref<1024xf32, #tpu.memory_space<hbm>>
        tpu.enqueue_dma source(%dma_start3A_45 : memref<1024xf32, #tpu.memory_space<hbm>>) target(%arg4 : memref<1024xf32, #tpu.memory_space<vmem>>) target_semaphore(%run_scoped3A_40 : memref<!tpu.dma_semaphore, #tpu.memory_space<semaphore_mem>>)
        %dma_wait3A = arith.constant 0 : i32
        %dma_wait3A_46 = tpu.memref_slice %arg2[%run_scoped3A, %add3A_28, %dma_wait3A] : memref<4x1024x1024xf32, #tpu.memory_space<hbm>> -> memref<1x1x1024xf32, #tpu.memory_space<hbm>>
        %dma_wait3A_47 = tpu.memref_squeeze %dma_wait3A_46 : memref<1x1x1024xf32, #tpu.memory_space<hbm>> -> memref<1024xf32, #tpu.memory_space<hbm>>
        %dma_wait3A_48 = arith.constant 0 : i32
        %dma_wait3A_49 = tpu.memref_slice %arg2[%run_scoped3A, %add3A_28, %dma_wait3A_48] : memref<4x1024x1024xf32, #tpu.memory_space<hbm>> -> memref<1x1x1024xf32, #tpu.memory_space<hbm>>
        %dma_wait3A_50 = tpu.memref_squeeze %dma_wait3A_49 : memref<1x1x1024xf32, #tpu.memory_space<hbm>> -> memref<1024xf32, #tpu.memory_space<hbm>>
        tpu.wait_dma2 semaphore(%run_scoped3A_40 : memref<!tpu.dma_semaphore, #tpu.memory_space<semaphore_mem>>) src(%dma_wait3A_50 : memref<1024xf32, #tpu.memory_space<hbm>>) dst(%arg4 : memref<1024xf32, #tpu.memory_space<vmem>>)
        tpu.yield
      }) : () -> ()
      %scan3A_29 = arith.constant 0 : i32
      %scan3A_30 = arith.constant 8 : i32
      %scan3A_31 = arith.addi %scan3A_29, %scan3A_30 : i32
      %scan3A_32 = arith.constant 1 : i32
      %scan3A_33 = scf.for %scan3A_40 = %scan3A_29 to %scan3A_31 step %scan3A_32 iter_args(%scan3A_41 = %broadcast_in_dim3A_1) -> (vector<16xf32>)  : i32 {
        %broadcast_in_dim3A_42 = arith.constant 0 : i32
        %broadcast_in_dim3A_43 = vector.broadcast %broadcast_in_dim3A_42 : i32 to vector<16xi32>
        %broadcast_in_dim3A_44 = vector.shape_cast %broadcast_in_dim3A_43 : vector<16xi32> to vector<16x1xi32>
        %gather3A = vector.shape_cast %broadcast_in_dim3A_44 : vector<16x1xi32> to vector<16xi32>
        %gather3A_45 = tpu.dynamic_gather %scan3A_41[%gather3A] in [0] : vector<16xf32>, vector<16xi32> -> vector<16xf32>
        %broadcast_in_dim3A_46 = arith.constant 1 : i32
        %broadcast_in_dim3A_47 = vector.broadcast %broadcast_in_dim3A_46 : i32 to vector<16xi32>
        %broadcast_in_dim3A_48 = vector.shape_cast %broadcast_in_dim3A_47 : vector<16xi32> to vector<16x1xi32>
        %gather3A_49 = vector.shape_cast %broadcast_in_dim3A_48 : vector<16x1xi32> to vector<16xi32>
        %gather3A_50 = tpu.dynamic_gather %scan3A_41[%gather3A_49] in [0] : vector<16xf32>, vector<16xi32> -> vector<16xf32>
        %broadcast_in_dim3A_51 = arith.constant 2 : i32
        %broadcast_in_dim3A_52 = vector.broadcast %broadcast_in_dim3A_51 : i32 to vector<16xi32>
        %broadcast_in_dim3A_53 = vector.shape_cast %broadcast_in_dim3A_52 : vector<16xi32> to vector<16x1xi32>
        %gather3A_54 = vector.shape_cast %broadcast_in_dim3A_53 : vector<16x1xi32> to vector<16xi32>
        %gather3A_55 = tpu.dynamic_gather %scan3A_41[%gather3A_54] in [0] : vector<16xf32>, vector<16xi32> -> vector<16xf32>
        %broadcast_in_dim3A_56 = arith.constant 3 : i32
        %broadcast_in_dim3A_57 = vector.broadcast %broadcast_in_dim3A_56 : i32 to vector<16xi32>
        %broadcast_in_dim3A_58 = vector.shape_cast %broadcast_in_dim3A_57 : vector<16xi32> to vector<16x1xi32>
        %gather3A_59 = vector.shape_cast %broadcast_in_dim3A_58 : vector<16x1xi32> to vector<16xi32>
        %gather3A_60 = tpu.dynamic_gather %scan3A_41[%gather3A_59] in [0] : vector<16xf32>, vector<16xi32> -> vector<16xf32>
        %broadcast_in_dim3A_61 = arith.constant 4 : i32
        %broadcast_in_dim3A_62 = vector.broadcast %broadcast_in_dim3A_61 : i32 to vector<16xi32>
        %broadcast_in_dim3A_63 = vector.shape_cast %broadcast_in_dim3A_62 : vector<16xi32> to vector<16x1xi32>
        %gather3A_64 = vector.shape_cast %broadcast_in_dim3A_63 : vector<16x1xi32> to vector<16xi32>
        %gather3A_65 = tpu.dynamic_gather %scan3A_41[%gather3A_64] in [0] : vector<16xf32>, vector<16xi32> -> vector<16xf32>
        %broadcast_in_dim3A_66 = arith.constant 5 : i32
        %broadcast_in_dim3A_67 = vector.broadcast %broadcast_in_dim3A_66 : i32 to vector<16xi32>
        %broadcast_in_dim3A_68 = vector.shape_cast %broadcast_in_dim3A_67 : vector<16xi32> to vector<16x1xi32>
        %gather3A_69 = vector.shape_cast %broadcast_in_dim3A_68 : vector<16x1xi32> to vector<16xi32>
        %gather3A_70 = tpu.dynamic_gather %scan3A_41[%gather3A_69] in [0] : vector<16xf32>, vector<16xi32> -> vector<16xf32>
        %broadcast_in_dim3A_71 = arith.constant 6 : i32
        %broadcast_in_dim3A_72 = vector.broadcast %broadcast_in_dim3A_71 : i32 to vector<16xi32>
        %broadcast_in_dim3A_73 = vector.shape_cast %broadcast_in_dim3A_72 : vector<16xi32> to vector<16x1xi32>
        %gather3A_74 = vector.shape_cast %broadcast_in_dim3A_73 : vector<16x1xi32> to vector<16xi32>
        %gather3A_75 = tpu.dynamic_gather %scan3A_41[%gather3A_74] in [0] : vector<16xf32>, vector<16xi32> -> vector<16xf32>
        %broadcast_in_dim3A_76 = arith.constant 7 : i32
        %broadcast_in_dim3A_77 = vector.broadcast %broadcast_in_dim3A_76 : i32 to vector<16xi32>
        %broadcast_in_dim3A_78 = vector.shape_cast %broadcast_in_dim3A_77 : vector<16xi32> to vector<16x1xi32>
        %gather3A_79 = vector.shape_cast %broadcast_in_dim3A_78 : vector<16x1xi32> to vector<16xi32>
        %gather3A_80 = tpu.dynamic_gather %scan3A_41[%gather3A_79] in [0] : vector<16xf32>, vector<16xi32> -> vector<16xf32>
        %broadcast_in_dim3A_81 = arith.constant -8.000000e+00 : f32
        %broadcast_in_dim3A_82 = vector.broadcast %broadcast_in_dim3A_81 : f32 to vector<16xf32>
        %scan3A_83 = arith.constant 0 : i32
        %scan3A_84 = arith.constant 64 : i32
        %scan3A_85 = arith.addi %scan3A_83, %scan3A_84 : i32
        %scan3A_86 = arith.constant 1 : i32
        %scan3A_87:2 = scf.for %scan3A_163 = %scan3A_83 to %scan3A_85 step %scan3A_86 iter_args(%scan3A_164 = %broadcast_in_dim3A_82, %scan3A_165 = %broadcast_in_dim3A_1) -> (vector<16xf32>, vector<16xf32>)  : i32 {
          %mul3A_166 = arith.constant 16 : i32
          %mul3A_167 = arith.muli %scan3A_163, %mul3A_166 : i32
          %get3A = arith.index_cast %mul3A_167 : i32 to index
          %get3A_168 = tpu.vector_load %arg4[%get3A] {strides = array<i32>} : memref<1024xf32, #tpu.memory_space<vmem>>, vector<16xf32>,
          %get3A_169 = vector.shape_cast %get3A_168 : vector<16xf32> to vector<16xf32>
          %mul3A_170 = arith.constant 16 : i32
          %mul3A_171 = arith.muli %scan3A_163, %mul3A_170 : i32
          %convert_element_type3A_172 = arith.sitofp %mul3A_171 : i32 to f32
          %add3A_173 = vector.broadcast %convert_element_type3A_172 : f32 to vector<16xf32>
          %add3A_174 = arith.addf %convert_element_type3A, %add3A_173 : vector<16xf32>
          %eq3A_175 = arith.cmpf oeq, %add3A_174, %gather3A_45 : vector<16xf32>
          %jit3A = arith.constant -4.000000e+00 : f32
          %broadcast_in_dim3A_176 = vector.broadcast %jit3A : f32 to vector<16xf32>
          %select_n3A_177 = arith.select %eq3A_175, %broadcast_in_dim3A_176, %get3A_169 : vector<16xi1>, vector<16xf32>
          %eq3A_178 = arith.cmpf oeq, %add3A_174, %gather3A_50 : vector<16xf32>
          %jit3A_179 = arith.constant -4.000000e+00 : f32
          %broadcast_in_dim3A_180 = vector.broadcast %jit3A_179 : f32 to vector<16xf32>
          %select_n3A_181 = arith.select %eq3A_178, %broadcast_in_dim3A_180, %select_n3A_177 : vector<16xi1>, vector<16xf32>
          %eq3A_182 = arith.cmpf oeq, %add3A_174, %gather3A_55 : vector<16xf32>
          %jit3A_183 = arith.constant -4.000000e+00 : f32
          %broadcast_in_dim3A_184 = vector.broadcast %jit3A_183 : f32 to vector<16xf32>
          %select_n3A_185 = arith.select %eq3A_182, %broadcast_in_dim3A_184, %select_n3A_181 : vector<16xi1>, vector<16xf32>
          %eq3A_186 = arith.cmpf oeq, %add3A_174, %gather3A_60 : vector<16xf32>
          %jit3A_187 = arith.constant -4.000000e+00 : f32
          %broadcast_in_dim3A_188 = vector.broadcast %jit3A_187 : f32 to vector<16xf32>
          %select_n3A_189 = arith.select %eq3A_186, %broadcast_in_dim3A_188, %select_n3A_185 : vector<16xi1>, vector<16xf32>
          %eq3A_190 = arith.cmpf oeq, %add3A_174, %gather3A_65 : vector<16xf32>
          %jit3A_191 = arith.constant -4.000000e+00 : f32
          %broadcast_in_dim3A_192 = vector.broadcast %jit3A_191 : f32 to vector<16xf32>
          %select_n3A_193 = arith.select %eq3A_190, %broadcast_in_dim3A_192, %select_n3A_189 : vector<16xi1>, vector<16xf32>
          %eq3A_194 = arith.cmpf oeq, %add3A_174, %gather3A_70 : vector<16xf32>
          %jit3A_195 = arith.constant -4.000000e+00 : f32
          %broadcast_in_dim3A_196 = vector.broadcast %jit3A_195 : f32 to vector<16xf32>
          %select_n3A_197 = arith.select %eq3A_194, %broadcast_in_dim3A_196, %select_n3A_193 : vector<16xi1>, vector<16xf32>
          %eq3A_198 = arith.cmpf oeq, %add3A_174, %gather3A_75 : vector<16xf32>
          %jit3A_199 = arith.constant -4.000000e+00 : f32
          %broadcast_in_dim3A_200 = vector.broadcast %jit3A_199 : f32 to vector<16xf32>
          %select_n3A_201 = arith.select %eq3A_198, %broadcast_in_dim3A_200, %select_n3A_197 : vector<16xi1>, vector<16xf32>
          %eq3A_202 = arith.cmpf oeq, %add3A_174, %gather3A_80 : vector<16xf32>
          %jit3A_203 = arith.constant -4.000000e+00 : f32
          %broadcast_in_dim3A_204 = vector.broadcast %jit3A_203 : f32 to vector<16xf32>
          %select_n3A_205 = arith.select %eq3A_202, %broadcast_in_dim3A_204, %select_n3A_201 : vector<16xi1>, vector<16xf32>
          %gt3A_206 = arith.cmpf ogt, %select_n3A_205, %scan3A_164 : vector<16xf32>
          %select_n3A_207 = arith.select %gt3A_206, %select_n3A_205, %scan3A_164 : vector<16xi1>, vector<16xf32>
          %select_n3A_208 = arith.select %gt3A_206, %add3A_174, %scan3A_165 : vector<16xi1>, vector<16xf32>
          scf.yield %select_n3A_207, %select_n3A_208 : vector<16xf32>, vector<16xf32>
        }
        %scan3A_88 = arith.constant 64 : i32
        %add3A_89 = arith.constant 8 : i32
        %add3A_90 = vector.broadcast %add3A_89 : i32 to vector<16xi32>
        %add3A_91 = arith.addi %iota3A, %add3A_90 : vector<16xi32>
        %and3A = arith.constant 15 : i32
        %and3A_92 = vector.broadcast %and3A : i32 to vector<16xi32>
        %and3A_93 = arith.andi %add3A_91, %and3A_92 : vector<16xi32>
        %broadcast_in_dim3A_94 = vector.shape_cast %and3A_93 : vector<16xi32> to vector<16x1xi32>
        %gather3A_95 = vector.shape_cast %broadcast_in_dim3A_94 : vector<16x1xi32> to vector<16xi32>
        %gather3A_96 = tpu.dynamic_gather %scan3A_87#0[%gather3A_95] in [0] : vector<16xf32>, vector<16xi32> -> vector<16xf32>
        %broadcast_in_dim3A_97 = vector.shape_cast %and3A_93 : vector<16xi32> to vector<16x1xi32>
        %gather3A_98 = vector.shape_cast %broadcast_in_dim3A_97 : vector<16x1xi32> to vector<16xi32>
        %gather3A_99 = tpu.dynamic_gather %scan3A_87#1[%gather3A_98] in [0] : vector<16xf32>, vector<16xi32> -> vector<16xf32>
        %gt3A = arith.cmpf ogt, %gather3A_96, %scan3A_87#0 : vector<16xf32>
        %eq3A = arith.cmpf oeq, %gather3A_96, %scan3A_87#0 : vector<16xf32>
        %lt3A = arith.cmpf olt, %gather3A_99, %scan3A_87#1 : vector<16xf32>
        %and3A_100 = arith.andi %eq3A, %lt3A : vector<16xi1>
        %or3A = arith.ori %gt3A, %and3A_100 : vector<16xi1>
        %select_n3A = arith.select %or3A, %gather3A_96, %scan3A_87#0 : vector<16xi1>, vector<16xf32>
        %select_n3A_101 = arith.select %or3A, %gather3A_99, %scan3A_87#1 : vector<16xi1>, vector<16xf32>
        %add3A_102 = arith.constant 4 : i32
        %add3A_103 = vector.broadcast %add3A_102 : i32 to vector<16xi32>
        %add3A_104 = arith.addi %iota3A, %add3A_103 : vector<16xi32>
        %and3A_105 = arith.constant 15 : i32
        %and3A_106 = vector.broadcast %and3A_105 : i32 to vector<16xi32>
        %and3A_107 = arith.andi %add3A_104, %and3A_106 : vector<16xi32>
        %broadcast_in_dim3A_108 = vector.shape_cast %and3A_107 : vector<16xi32> to vector<16x1xi32>
        %gather3A_109 = vector.shape_cast %broadcast_in_dim3A_108 : vector<16x1xi32> to vector<16xi32>
        %gather3A_110 = tpu.dynamic_gather %select_n3A[%gather3A_109] in [0] : vector<16xf32>, vector<16xi32> -> vector<16xf32>
        %broadcast_in_dim3A_111 = vector.shape_cast %and3A_107 : vector<16xi32> to vector<16x1xi32>
        %gather3A_112 = vector.shape_cast %broadcast_in_dim3A_111 : vector<16x1xi32> to vector<16xi32>
        %gather3A_113 = tpu.dynamic_gather %select_n3A_101[%gather3A_112] in [0] : vector<16xf32>, vector<16xi32> -> vector<16xf32>
        %gt3A_114 = arith.cmpf ogt, %gather3A_110, %select_n3A : vector<16xf32>
        %eq3A_115 = arith.cmpf oeq, %gather3A_110, %select_n3A : vector<16xf32>
        %lt3A_116 = arith.cmpf olt, %gather3A_113, %select_n3A_101 : vector<16xf32>
        %and3A_117 = arith.andi %eq3A_115, %lt3A_116 : vector<16xi1>
        %or3A_118 = arith.ori %gt3A_114, %and3A_117 : vector<16xi1>
        %select_n3A_119 = arith.select %or3A_118, %gather3A_110, %select_n3A : vector<16xi1>, vector<16xf32>
        %select_n3A_120 = arith.select %or3A_118, %gather3A_113, %select_n3A_101 : vector<16xi1>, vector<16xf32>
        %add3A_121 = arith.constant 2 : i32
        %add3A_122 = vector.broadcast %add3A_121 : i32 to vector<16xi32>
        %add3A_123 = arith.addi %iota3A, %add3A_122 : vector<16xi32>
        %and3A_124 = arith.constant 15 : i32
        %and3A_125 = vector.broadcast %and3A_124 : i32 to vector<16xi32>
        %and3A_126 = arith.andi %add3A_123, %and3A_125 : vector<16xi32>
        %broadcast_in_dim3A_127 = vector.shape_cast %and3A_126 : vector<16xi32> to vector<16x1xi32>
        %gather3A_128 = vector.shape_cast %broadcast_in_dim3A_127 : vector<16x1xi32> to vector<16xi32>
        %gather3A_129 = tpu.dynamic_gather %select_n3A_119[%gather3A_128] in [0] : vector<16xf32>, vector<16xi32> -> vector<16xf32>
        %broadcast_in_dim3A_130 = vector.shape_cast %and3A_126 : vector<16xi32> to vector<16x1xi32>
        %gather3A_131 = vector.shape_cast %broadcast_in_dim3A_130 : vector<16x1xi32> to vector<16xi32>
        %gather3A_132 = tpu.dynamic_gather %select_n3A_120[%gather3A_131] in [0] : vector<16xf32>, vector<16xi32> -> vector<16xf32>
        %gt3A_133 = arith.cmpf ogt, %gather3A_129, %select_n3A_119 : vector<16xf32>
        %eq3A_134 = arith.cmpf oeq, %gather3A_129, %select_n3A_119 : vector<16xf32>
        %lt3A_135 = arith.cmpf olt, %gather3A_132, %select_n3A_120 : vector<16xf32>
        %and3A_136 = arith.andi %eq3A_134, %lt3A_135 : vector<16xi1>
        %or3A_137 = arith.ori %gt3A_133, %and3A_136 : vector<16xi1>
        %select_n3A_138 = arith.select %or3A_137, %gather3A_129, %select_n3A_119 : vector<16xi1>, vector<16xf32>
        %select_n3A_139 = arith.select %or3A_137, %gather3A_132, %select_n3A_120 : vector<16xi1>, vector<16xf32>
        %add3A_140 = arith.constant 1 : i32
        %add3A_141 = vector.broadcast %add3A_140 : i32 to vector<16xi32>
        %add3A_142 = arith.addi %iota3A, %add3A_141 : vector<16xi32>
        %and3A_143 = arith.constant 15 : i32
        %and3A_144 = vector.broadcast %and3A_143 : i32 to vector<16xi32>
        %and3A_145 = arith.andi %add3A_142, %and3A_144 : vector<16xi32>
        %broadcast_in_dim3A_146 = vector.shape_cast %and3A_145 : vector<16xi32> to vector<16x1xi32>
        %gather3A_147 = vector.shape_cast %broadcast_in_dim3A_146 : vector<16x1xi32> to vector<16xi32>
        %gather3A_148 = tpu.dynamic_gather %select_n3A_138[%gather3A_147] in [0] : vector<16xf32>, vector<16xi32> -> vector<16xf32>
        %broadcast_in_dim3A_149 = vector.shape_cast %and3A_145 : vector<16xi32> to vector<16x1xi32>
        %gather3A_150 = vector.shape_cast %broadcast_in_dim3A_149 : vector<16x1xi32> to vector<16xi32>
        %gather3A_151 = tpu.dynamic_gather %select_n3A_139[%gather3A_150] in [0] : vector<16xf32>, vector<16xi32> -> vector<16xf32>
        %gt3A_152 = arith.cmpf ogt, %gather3A_148, %select_n3A_138 : vector<16xf32>
        %eq3A_153 = arith.cmpf oeq, %gather3A_148, %select_n3A_138 : vector<16xf32>
        %lt3A_154 = arith.cmpf olt, %gather3A_151, %select_n3A_139 : vector<16xf32>
        %and3A_155 = arith.andi %eq3A_153, %lt3A_154 : vector<16xi1>
        %or3A_156 = arith.ori %gt3A_152, %and3A_155 : vector<16xi1>
        %select_n3A_157 = arith.select %or3A_156, %gather3A_148, %select_n3A_138 : vector<16xi1>, vector<16xf32>
        %select_n3A_158 = arith.select %or3A_156, %gather3A_151, %select_n3A_139 : vector<16xi1>, vector<16xf32>
        %convert_element_type3A_159 = arith.sitofp %scan3A_40 : i32 to f32
        %eq3A_160 = vector.broadcast %convert_element_type3A_159 : f32 to vector<16xf32>
        %eq3A_161 = arith.cmpf oeq, %convert_element_type3A, %eq3A_160 : vector<16xf32>
        %select_n3A_162 = arith.select %eq3A_161, %select_n3A_158, %scan3A_41 : vector<16xi1>, vector<16xf32>
        scf.yield %select_n3A_162 : vector<16xf32>
      }
      %scan3A_34 = arith.constant 8 : i32
      %convert_element_type3A_35 = arith.fptosi %scan3A_33 : vector<16xf32> to vector<16xi32>
      %swap3A = arith.constant 0 : index
      %swap3A_36 = tpu.vector_load %arg5[%swap3A] {strides = array<i32>} : memref<16xi32, #tpu.memory_space<vmem>>, vector<16xi32>,
      %swap3A_37 = vector.shape_cast %swap3A_36 : vector<16xi32> to vector<16xi32>
      %swap3A_38 = vector.shape_cast %convert_element_type3A_35 : vector<16xi32> to vector<16xi32>
      tpu.vector_store %arg5[%swap3A], %swap3A_38 {strides = array<i32>} : memref<16xi32, #tpu.memory_space<vmem>>, vector<16xi32>,
      %run_scoped3A_39 = arith.constant 2 : i32
      "tpu.region"() ({
        %run_scoped3A_40 = tpu.sem_alloc : memref<!tpu.dma_semaphore, #tpu.memory_space<semaphore_mem>>
        %dma_start3A = arith.constant 0 : i32
        %dma_start3A_41 = tpu.memref_slice %arg3[%run_scoped3A_39, %add3A_28, %dma_start3A] : memref<4x1024x16xi32, #tpu.memory_space<hbm>> -> memref<1x1x16xi32, #tpu.memory_space<hbm>>
        %dma_start3A_42 = tpu.memref_squeeze %dma_start3A_41 : memref<1x1x16xi32, #tpu.memory_space<hbm>> -> memref<16xi32, #tpu.memory_space<hbm>>
        %dma_start3A_43 = arith.constant 0 : i32
        %dma_start3A_44 = tpu.memref_slice %arg3[%run_scoped3A_39, %add3A_28, %dma_start3A_43] : memref<4x1024x16xi32, #tpu.memory_space<hbm>> -> memref<1x1x16xi32, #tpu.memory_space<hbm>>
        %dma_start3A_45 = tpu.memref_squeeze %dma_start3A_44 : memref<1x1x16xi32, #tpu.memory_space<hbm>> -> memref<16xi32, #tpu.memory_space<hbm>>
        tpu.enqueue_dma source(%arg5 : memref<16xi32, #tpu.memory_space<vmem>>) target(%dma_start3A_45 : memref<16xi32, #tpu.memory_space<hbm>>) target_semaphore(%run_scoped3A_40 : memref<!tpu.dma_semaphore, #tpu.memory_space<semaphore_mem>>)
        %dma_wait3A = arith.constant 0 : i32
        %dma_wait3A_46 = tpu.memref_slice %arg3[%run_scoped3A_39, %add3A_28, %dma_wait3A] : memref<4x1024x16xi32, #tpu.memory_space<hbm>> -> memref<1x1x16xi32, #tpu.memory_space<hbm>>
        %dma_wait3A_47 = tpu.memref_squeeze %dma_wait3A_46 : memref<1x1x16xi32, #tpu.memory_space<hbm>> -> memref<16xi32, #tpu.memory_space<hbm>>
        %dma_wait3A_48 = arith.constant 0 : i32
        %dma_wait3A_49 = tpu.memref_slice %arg3[%run_scoped3A_39, %add3A_28, %dma_wait3A_48] : memref<4x1024x16xi32, #tpu.memory_space<hbm>> -> memref<1x1x16xi32, #tpu.memory_space<hbm>>
        %dma_wait3A_50 = tpu.memref_squeeze %dma_wait3A_49 : memref<1x1x16xi32, #tpu.memory_space<hbm>> -> memref<16xi32, #tpu.memory_space<hbm>>
        tpu.wait_dma2 semaphore(%run_scoped3A_40 : memref<!tpu.dma_semaphore, #tpu.memory_space<semaphore_mem>>) src(%arg5 : memref<16xi32, #tpu.memory_space<vmem>>) dst(%dma_wait3A_50 : memref<16xi32, #tpu.memory_space<hbm>>)
        tpu.yield
      }) : () -> ()
    }
    %scan3A_18 = arith.constant 32 : i32
    %scan3A_19 = arith.constant 0 : i32
    %scan3A_20 = arith.constant 0 : i32
    %scan3A_21 = arith.constant 32 : i32
    %scan3A_22 = arith.addi %scan3A_20, %scan3A_21 : i32
    %scan3A_23 = arith.constant 1 : i32
    scf.for %scan3A_25 = %scan3A_20 to %scan3A_22 step %scan3A_23  : i32 {
      %mul3A_26 = arith.constant 32 : i32
      %mul3A_27 = arith.muli %add3A, %mul3A_26 : i32
      %add3A_28 = arith.addi %mul3A_27, %scan3A_25 : i32
      %run_scoped3A = arith.constant 3 : i32
      "tpu.region"() ({
        %run_scoped3A_40 = tpu.sem_alloc : memref<!tpu.dma_semaphore, #tpu.memory_space<semaphore_mem>>
        %dma_start3A = arith.constant 0 : i32
        %dma_start3A_41 = tpu.memref_slice %arg2[%run_scoped3A, %add3A_28, %dma_start3A] : memref<4x1024x1024xf32, #tpu.memory_space<hbm>> -> memref<1x1x1024xf32, #tpu.memory_space<hbm>>
        %dma_start3A_42 = tpu.memref_squeeze %dma_start3A_41 : memref<1x1x1024xf32, #tpu.memory_space<hbm>> -> memref<1024xf32, #tpu.memory_space<hbm>>
        %dma_start3A_43 = arith.constant 0 : i32
        %dma_start3A_44 = tpu.memref_slice %arg2[%run_scoped3A, %add3A_28, %dma_start3A_43] : memref<4x1024x1024xf32, #tpu.memory_space<hbm>> -> memref<1x1x1024xf32, #tpu.memory_space<hbm>>
        %dma_start3A_45 = tpu.memref_squeeze %dma_start3A_44 : memref<1x1x1024xf32, #tpu.memory_space<hbm>> -> memref<1024xf32, #tpu.memory_space<hbm>>
        tpu.enqueue_dma source(%dma_start3A_45 : memref<1024xf32, #tpu.memory_space<hbm>>) target(%arg4 : memref<1024xf32, #tpu.memory_space<vmem>>) target_semaphore(%run_scoped3A_40 : memref<!tpu.dma_semaphore, #tpu.memory_space<semaphore_mem>>)
        %dma_wait3A = arith.constant 0 : i32
        %dma_wait3A_46 = tpu.memref_slice %arg2[%run_scoped3A, %add3A_28, %dma_wait3A] : memref<4x1024x1024xf32, #tpu.memory_space<hbm>> -> memref<1x1x1024xf32, #tpu.memory_space<hbm>>
        %dma_wait3A_47 = tpu.memref_squeeze %dma_wait3A_46 : memref<1x1x1024xf32, #tpu.memory_space<hbm>> -> memref<1024xf32, #tpu.memory_space<hbm>>
        %dma_wait3A_48 = arith.constant 0 : i32
        %dma_wait3A_49 = tpu.memref_slice %arg2[%run_scoped3A, %add3A_28, %dma_wait3A_48] : memref<4x1024x1024xf32, #tpu.memory_space<hbm>> -> memref<1x1x1024xf32, #tpu.memory_space<hbm>>
        %dma_wait3A_50 = tpu.memref_squeeze %dma_wait3A_49 : memref<1x1x1024xf32, #tpu.memory_space<hbm>> -> memref<1024xf32, #tpu.memory_space<hbm>>
        tpu.wait_dma2 semaphore(%run_scoped3A_40 : memref<!tpu.dma_semaphore, #tpu.memory_space<semaphore_mem>>) src(%dma_wait3A_50 : memref<1024xf32, #tpu.memory_space<hbm>>) dst(%arg4 : memref<1024xf32, #tpu.memory_space<vmem>>)
        tpu.yield
      }) : () -> ()
      %scan3A_29 = arith.constant 0 : i32
      %scan3A_30 = arith.constant 8 : i32
      %scan3A_31 = arith.addi %scan3A_29, %scan3A_30 : i32
      %scan3A_32 = arith.constant 1 : i32
      %scan3A_33 = scf.for %scan3A_40 = %scan3A_29 to %scan3A_31 step %scan3A_32 iter_args(%scan3A_41 = %broadcast_in_dim3A_1) -> (vector<16xf32>)  : i32 {
        %broadcast_in_dim3A_42 = arith.constant 0 : i32
        %broadcast_in_dim3A_43 = vector.broadcast %broadcast_in_dim3A_42 : i32 to vector<16xi32>
        %broadcast_in_dim3A_44 = vector.shape_cast %broadcast_in_dim3A_43 : vector<16xi32> to vector<16x1xi32>
        %gather3A = vector.shape_cast %broadcast_in_dim3A_44 : vector<16x1xi32> to vector<16xi32>
        %gather3A_45 = tpu.dynamic_gather %scan3A_41[%gather3A] in [0] : vector<16xf32>, vector<16xi32> -> vector<16xf32>
        %broadcast_in_dim3A_46 = arith.constant 1 : i32
        %broadcast_in_dim3A_47 = vector.broadcast %broadcast_in_dim3A_46 : i32 to vector<16xi32>
        %broadcast_in_dim3A_48 = vector.shape_cast %broadcast_in_dim3A_47 : vector<16xi32> to vector<16x1xi32>
        %gather3A_49 = vector.shape_cast %broadcast_in_dim3A_48 : vector<16x1xi32> to vector<16xi32>
        %gather3A_50 = tpu.dynamic_gather %scan3A_41[%gather3A_49] in [0] : vector<16xf32>, vector<16xi32> -> vector<16xf32>
        %broadcast_in_dim3A_51 = arith.constant 2 : i32
        %broadcast_in_dim3A_52 = vector.broadcast %broadcast_in_dim3A_51 : i32 to vector<16xi32>
        %broadcast_in_dim3A_53 = vector.shape_cast %broadcast_in_dim3A_52 : vector<16xi32> to vector<16x1xi32>
        %gather3A_54 = vector.shape_cast %broadcast_in_dim3A_53 : vector<16x1xi32> to vector<16xi32>
        %gather3A_55 = tpu.dynamic_gather %scan3A_41[%gather3A_54] in [0] : vector<16xf32>, vector<16xi32> -> vector<16xf32>
        %broadcast_in_dim3A_56 = arith.constant 3 : i32
        %broadcast_in_dim3A_57 = vector.broadcast %broadcast_in_dim3A_56 : i32 to vector<16xi32>
        %broadcast_in_dim3A_58 = vector.shape_cast %broadcast_in_dim3A_57 : vector<16xi32> to vector<16x1xi32>
        %gather3A_59 = vector.shape_cast %broadcast_in_dim3A_58 : vector<16x1xi32> to vector<16xi32>
        %gather3A_60 = tpu.dynamic_gather %scan3A_41[%gather3A_59] in [0] : vector<16xf32>, vector<16xi32> -> vector<16xf32>
        %broadcast_in_dim3A_61 = arith.constant 4 : i32
        %broadcast_in_dim3A_62 = vector.broadcast %broadcast_in_dim3A_61 : i32 to vector<16xi32>
        %broadcast_in_dim3A_63 = vector.shape_cast %broadcast_in_dim3A_62 : vector<16xi32> to vector<16x1xi32>
        %gather3A_64 = vector.shape_cast %broadcast_in_dim3A_63 : vector<16x1xi32> to vector<16xi32>
        %gather3A_65 = tpu.dynamic_gather %scan3A_41[%gather3A_64] in [0] : vector<16xf32>, vector<16xi32> -> vector<16xf32>
        %broadcast_in_dim3A_66 = arith.constant 5 : i32
        %broadcast_in_dim3A_67 = vector.broadcast %broadcast_in_dim3A_66 : i32 to vector<16xi32>
        %broadcast_in_dim3A_68 = vector.shape_cast %broadcast_in_dim3A_67 : vector<16xi32> to vector<16x1xi32>
        %gather3A_69 = vector.shape_cast %broadcast_in_dim3A_68 : vector<16x1xi32> to vector<16xi32>
        %gather3A_70 = tpu.dynamic_gather %scan3A_41[%gather3A_69] in [0] : vector<16xf32>, vector<16xi32> -> vector<16xf32>
        %broadcast_in_dim3A_71 = arith.constant 6 : i32
        %broadcast_in_dim3A_72 = vector.broadcast %broadcast_in_dim3A_71 : i32 to vector<16xi32>
        %broadcast_in_dim3A_73 = vector.shape_cast %broadcast_in_dim3A_72 : vector<16xi32> to vector<16x1xi32>
        %gather3A_74 = vector.shape_cast %broadcast_in_dim3A_73 : vector<16x1xi32> to vector<16xi32>
        %gather3A_75 = tpu.dynamic_gather %scan3A_41[%gather3A_74] in [0] : vector<16xf32>, vector<16xi32> -> vector<16xf32>
        %broadcast_in_dim3A_76 = arith.constant 7 : i32
        %broadcast_in_dim3A_77 = vector.broadcast %broadcast_in_dim3A_76 : i32 to vector<16xi32>
        %broadcast_in_dim3A_78 = vector.shape_cast %broadcast_in_dim3A_77 : vector<16xi32> to vector<16x1xi32>
        %gather3A_79 = vector.shape_cast %broadcast_in_dim3A_78 : vector<16x1xi32> to vector<16xi32>
        %gather3A_80 = tpu.dynamic_gather %scan3A_41[%gather3A_79] in [0] : vector<16xf32>, vector<16xi32> -> vector<16xf32>
        %broadcast_in_dim3A_81 = arith.constant -8.000000e+00 : f32
        %broadcast_in_dim3A_82 = vector.broadcast %broadcast_in_dim3A_81 : f32 to vector<16xf32>
        %scan3A_83 = arith.constant 0 : i32
        %scan3A_84 = arith.constant 64 : i32
        %scan3A_85 = arith.addi %scan3A_83, %scan3A_84 : i32
        %scan3A_86 = arith.constant 1 : i32
        %scan3A_87:2 = scf.for %scan3A_163 = %scan3A_83 to %scan3A_85 step %scan3A_86 iter_args(%scan3A_164 = %broadcast_in_dim3A_82, %scan3A_165 = %broadcast_in_dim3A_1) -> (vector<16xf32>, vector<16xf32>)  : i32 {
          %mul3A_166 = arith.constant 16 : i32
          %mul3A_167 = arith.muli %scan3A_163, %mul3A_166 : i32
          %get3A = arith.index_cast %mul3A_167 : i32 to index
          %get3A_168 = tpu.vector_load %arg4[%get3A] {strides = array<i32>} : memref<1024xf32, #tpu.memory_space<vmem>>, vector<16xf32>,
          %get3A_169 = vector.shape_cast %get3A_168 : vector<16xf32> to vector<16xf32>
          %mul3A_170 = arith.constant 16 : i32
          %mul3A_171 = arith.muli %scan3A_163, %mul3A_170 : i32
          %convert_element_type3A_172 = arith.sitofp %mul3A_171 : i32 to f32
          %add3A_173 = vector.broadcast %convert_element_type3A_172 : f32 to vector<16xf32>
          %add3A_174 = arith.addf %convert_element_type3A, %add3A_173 : vector<16xf32>
          %eq3A_175 = arith.cmpf oeq, %add3A_174, %gather3A_45 : vector<16xf32>
          %jit3A = arith.constant -4.000000e+00 : f32
          %broadcast_in_dim3A_176 = vector.broadcast %jit3A : f32 to vector<16xf32>
          %select_n3A_177 = arith.select %eq3A_175, %broadcast_in_dim3A_176, %get3A_169 : vector<16xi1>, vector<16xf32>
          %eq3A_178 = arith.cmpf oeq, %add3A_174, %gather3A_50 : vector<16xf32>
          %jit3A_179 = arith.constant -4.000000e+00 : f32
          %broadcast_in_dim3A_180 = vector.broadcast %jit3A_179 : f32 to vector<16xf32>
          %select_n3A_181 = arith.select %eq3A_178, %broadcast_in_dim3A_180, %select_n3A_177 : vector<16xi1>, vector<16xf32>
          %eq3A_182 = arith.cmpf oeq, %add3A_174, %gather3A_55 : vector<16xf32>
          %jit3A_183 = arith.constant -4.000000e+00 : f32
          %broadcast_in_dim3A_184 = vector.broadcast %jit3A_183 : f32 to vector<16xf32>
          %select_n3A_185 = arith.select %eq3A_182, %broadcast_in_dim3A_184, %select_n3A_181 : vector<16xi1>, vector<16xf32>
          %eq3A_186 = arith.cmpf oeq, %add3A_174, %gather3A_60 : vector<16xf32>
          %jit3A_187 = arith.constant -4.000000e+00 : f32
          %broadcast_in_dim3A_188 = vector.broadcast %jit3A_187 : f32 to vector<16xf32>
          %select_n3A_189 = arith.select %eq3A_186, %broadcast_in_dim3A_188, %select_n3A_185 : vector<16xi1>, vector<16xf32>
          %eq3A_190 = arith.cmpf oeq, %add3A_174, %gather3A_65 : vector<16xf32>
          %jit3A_191 = arith.constant -4.000000e+00 : f32
          %broadcast_in_dim3A_192 = vector.broadcast %jit3A_191 : f32 to vector<16xf32>
          %select_n3A_193 = arith.select %eq3A_190, %broadcast_in_dim3A_192, %select_n3A_189 : vector<16xi1>, vector<16xf32>
          %eq3A_194 = arith.cmpf oeq, %add3A_174, %gather3A_70 : vector<16xf32>
          %jit3A_195 = arith.constant -4.000000e+00 : f32
          %broadcast_in_dim3A_196 = vector.broadcast %jit3A_195 : f32 to vector<16xf32>
          %select_n3A_197 = arith.select %eq3A_194, %broadcast_in_dim3A_196, %select_n3A_193 : vector<16xi1>, vector<16xf32>
          %eq3A_198 = arith.cmpf oeq, %add3A_174, %gather3A_75 : vector<16xf32>
          %jit3A_199 = arith.constant -4.000000e+00 : f32
          %broadcast_in_dim3A_200 = vector.broadcast %jit3A_199 : f32 to vector<16xf32>
          %select_n3A_201 = arith.select %eq3A_198, %broadcast_in_dim3A_200, %select_n3A_197 : vector<16xi1>, vector<16xf32>
          %eq3A_202 = arith.cmpf oeq, %add3A_174, %gather3A_80 : vector<16xf32>
          %jit3A_203 = arith.constant -4.000000e+00 : f32
          %broadcast_in_dim3A_204 = vector.broadcast %jit3A_203 : f32 to vector<16xf32>
          %select_n3A_205 = arith.select %eq3A_202, %broadcast_in_dim3A_204, %select_n3A_201 : vector<16xi1>, vector<16xf32>
          %gt3A_206 = arith.cmpf ogt, %select_n3A_205, %scan3A_164 : vector<16xf32>
          %select_n3A_207 = arith.select %gt3A_206, %select_n3A_205, %scan3A_164 : vector<16xi1>, vector<16xf32>
          %select_n3A_208 = arith.select %gt3A_206, %add3A_174, %scan3A_165 : vector<16xi1>, vector<16xf32>
          scf.yield %select_n3A_207, %select_n3A_208 : vector<16xf32>, vector<16xf32>
        }
        %scan3A_88 = arith.constant 64 : i32
        %add3A_89 = arith.constant 8 : i32
        %add3A_90 = vector.broadcast %add3A_89 : i32 to vector<16xi32>
        %add3A_91 = arith.addi %iota3A, %add3A_90 : vector<16xi32>
        %and3A = arith.constant 15 : i32
        %and3A_92 = vector.broadcast %and3A : i32 to vector<16xi32>
        %and3A_93 = arith.andi %add3A_91, %and3A_92 : vector<16xi32>
        %broadcast_in_dim3A_94 = vector.shape_cast %and3A_93 : vector<16xi32> to vector<16x1xi32>
        %gather3A_95 = vector.shape_cast %broadcast_in_dim3A_94 : vector<16x1xi32> to vector<16xi32>
        %gather3A_96 = tpu.dynamic_gather %scan3A_87#0[%gather3A_95] in [0] : vector<16xf32>, vector<16xi32> -> vector<16xf32>
        %broadcast_in_dim3A_97 = vector.shape_cast %and3A_93 : vector<16xi32> to vector<16x1xi32>
        %gather3A_98 = vector.shape_cast %broadcast_in_dim3A_97 : vector<16x1xi32> to vector<16xi32>
        %gather3A_99 = tpu.dynamic_gather %scan3A_87#1[%gather3A_98] in [0] : vector<16xf32>, vector<16xi32> -> vector<16xf32>
        %gt3A = arith.cmpf ogt, %gather3A_96, %scan3A_87#0 : vector<16xf32>
        %eq3A = arith.cmpf oeq, %gather3A_96, %scan3A_87#0 : vector<16xf32>
        %lt3A = arith.cmpf olt, %gather3A_99, %scan3A_87#1 : vector<16xf32>
        %and3A_100 = arith.andi %eq3A, %lt3A : vector<16xi1>
        %or3A = arith.ori %gt3A, %and3A_100 : vector<16xi1>
        %select_n3A = arith.select %or3A, %gather3A_96, %scan3A_87#0 : vector<16xi1>, vector<16xf32>
        %select_n3A_101 = arith.select %or3A, %gather3A_99, %scan3A_87#1 : vector<16xi1>, vector<16xf32>
        %add3A_102 = arith.constant 4 : i32
        %add3A_103 = vector.broadcast %add3A_102 : i32 to vector<16xi32>
        %add3A_104 = arith.addi %iota3A, %add3A_103 : vector<16xi32>
        %and3A_105 = arith.constant 15 : i32
        %and3A_106 = vector.broadcast %and3A_105 : i32 to vector<16xi32>
        %and3A_107 = arith.andi %add3A_104, %and3A_106 : vector<16xi32>
        %broadcast_in_dim3A_108 = vector.shape_cast %and3A_107 : vector<16xi32> to vector<16x1xi32>
        %gather3A_109 = vector.shape_cast %broadcast_in_dim3A_108 : vector<16x1xi32> to vector<16xi32>
        %gather3A_110 = tpu.dynamic_gather %select_n3A[%gather3A_109] in [0] : vector<16xf32>, vector<16xi32> -> vector<16xf32>
        %broadcast_in_dim3A_111 = vector.shape_cast %and3A_107 : vector<16xi32> to vector<16x1xi32>
        %gather3A_112 = vector.shape_cast %broadcast_in_dim3A_111 : vector<16x1xi32> to vector<16xi32>
        %gather3A_113 = tpu.dynamic_gather %select_n3A_101[%gather3A_112] in [0] : vector<16xf32>, vector<16xi32> -> vector<16xf32>
        %gt3A_114 = arith.cmpf ogt, %gather3A_110, %select_n3A : vector<16xf32>
        %eq3A_115 = arith.cmpf oeq, %gather3A_110, %select_n3A : vector<16xf32>
        %lt3A_116 = arith.cmpf olt, %gather3A_113, %select_n3A_101 : vector<16xf32>
        %and3A_117 = arith.andi %eq3A_115, %lt3A_116 : vector<16xi1>
        %or3A_118 = arith.ori %gt3A_114, %and3A_117 : vector<16xi1>
        %select_n3A_119 = arith.select %or3A_118, %gather3A_110, %select_n3A : vector<16xi1>, vector<16xf32>
        %select_n3A_120 = arith.select %or3A_118, %gather3A_113, %select_n3A_101 : vector<16xi1>, vector<16xf32>
        %add3A_121 = arith.constant 2 : i32
        %add3A_122 = vector.broadcast %add3A_121 : i32 to vector<16xi32>
        %add3A_123 = arith.addi %iota3A, %add3A_122 : vector<16xi32>
        %and3A_124 = arith.constant 15 : i32
        %and3A_125 = vector.broadcast %and3A_124 : i32 to vector<16xi32>
        %and3A_126 = arith.andi %add3A_123, %and3A_125 : vector<16xi32>
        %broadcast_in_dim3A_127 = vector.shape_cast %and3A_126 : vector<16xi32> to vector<16x1xi32>
        %gather3A_128 = vector.shape_cast %broadcast_in_dim3A_127 : vector<16x1xi32> to vector<16xi32>
        %gather3A_129 = tpu.dynamic_gather %select_n3A_119[%gather3A_128] in [0] : vector<16xf32>, vector<16xi32> -> vector<16xf32>
        %broadcast_in_dim3A_130 = vector.shape_cast %and3A_126 : vector<16xi32> to vector<16x1xi32>
        %gather3A_131 = vector.shape_cast %broadcast_in_dim3A_130 : vector<16x1xi32> to vector<16xi32>
        %gather3A_132 = tpu.dynamic_gather %select_n3A_120[%gather3A_131] in [0] : vector<16xf32>, vector<16xi32> -> vector<16xf32>
        %gt3A_133 = arith.cmpf ogt, %gather3A_129, %select_n3A_119 : vector<16xf32>
        %eq3A_134 = arith.cmpf oeq, %gather3A_129, %select_n3A_119 : vector<16xf32>
        %lt3A_135 = arith.cmpf olt, %gather3A_132, %select_n3A_120 : vector<16xf32>
        %and3A_136 = arith.andi %eq3A_134, %lt3A_135 : vector<16xi1>
        %or3A_137 = arith.ori %gt3A_133, %and3A_136 : vector<16xi1>
        %select_n3A_138 = arith.select %or3A_137, %gather3A_129, %select_n3A_119 : vector<16xi1>, vector<16xf32>
        %select_n3A_139 = arith.select %or3A_137, %gather3A_132, %select_n3A_120 : vector<16xi1>, vector<16xf32>
        %add3A_140 = arith.constant 1 : i32
        %add3A_141 = vector.broadcast %add3A_140 : i32 to vector<16xi32>
        %add3A_142 = arith.addi %iota3A, %add3A_141 : vector<16xi32>
        %and3A_143 = arith.constant 15 : i32
        %and3A_144 = vector.broadcast %and3A_143 : i32 to vector<16xi32>
        %and3A_145 = arith.andi %add3A_142, %and3A_144 : vector<16xi32>
        %broadcast_in_dim3A_146 = vector.shape_cast %and3A_145 : vector<16xi32> to vector<16x1xi32>
        %gather3A_147 = vector.shape_cast %broadcast_in_dim3A_146 : vector<16x1xi32> to vector<16xi32>
        %gather3A_148 = tpu.dynamic_gather %select_n3A_138[%gather3A_147] in [0] : vector<16xf32>, vector<16xi32> -> vector<16xf32>
        %broadcast_in_dim3A_149 = vector.shape_cast %and3A_145 : vector<16xi32> to vector<16x1xi32>
        %gather3A_150 = vector.shape_cast %broadcast_in_dim3A_149 : vector<16x1xi32> to vector<16xi32>
        %gather3A_151 = tpu.dynamic_gather %select_n3A_139[%gather3A_150] in [0] : vector<16xf32>, vector<16xi32> -> vector<16xf32>
        %gt3A_152 = arith.cmpf ogt, %gather3A_148, %select_n3A_138 : vector<16xf32>
        %eq3A_153 = arith.cmpf oeq, %gather3A_148, %select_n3A_138 : vector<16xf32>
        %lt3A_154 = arith.cmpf olt, %gather3A_151, %select_n3A_139 : vector<16xf32>
        %and3A_155 = arith.andi %eq3A_153, %lt3A_154 : vector<16xi1>
        %or3A_156 = arith.ori %gt3A_152, %and3A_155 : vector<16xi1>
        %select_n3A_157 = arith.select %or3A_156, %gather3A_148, %select_n3A_138 : vector<16xi1>, vector<16xf32>
        %select_n3A_158 = arith.select %or3A_156, %gather3A_151, %select_n3A_139 : vector<16xi1>, vector<16xf32>
        %convert_element_type3A_159 = arith.sitofp %scan3A_40 : i32 to f32
        %eq3A_160 = vector.broadcast %convert_element_type3A_159 : f32 to vector<16xf32>
        %eq3A_161 = arith.cmpf oeq, %convert_element_type3A, %eq3A_160 : vector<16xf32>
        %select_n3A_162 = arith.select %eq3A_161, %select_n3A_158, %scan3A_41 : vector<16xi1>, vector<16xf32>
        scf.yield %select_n3A_162 : vector<16xf32>
      }
      %scan3A_34 = arith.constant 8 : i32
      %convert_element_type3A_35 = arith.fptosi %scan3A_33 : vector<16xf32> to vector<16xi32>
      %swap3A = arith.constant 0 : index
      %swap3A_36 = tpu.vector_load %arg5[%swap3A] {strides = array<i32>} : memref<16xi32, #tpu.memory_space<vmem>>, vector<16xi32>,
      %swap3A_37 = vector.shape_cast %swap3A_36 : vector<16xi32> to vector<16xi32>
      %swap3A_38 = vector.shape_cast %convert_element_type3A_35 : vector<16xi32> to vector<16xi32>
      tpu.vector_store %arg5[%swap3A], %swap3A_38 {strides = array<i32>} : memref<16xi32, #tpu.memory_space<vmem>>, vector<16xi32>,
      %run_scoped3A_39 = arith.constant 3 : i32
      "tpu.region"() ({
        %run_scoped3A_40 = tpu.sem_alloc : memref<!tpu.dma_semaphore, #tpu.memory_space<semaphore_mem>>
        %dma_start3A = arith.constant 0 : i32
        %dma_start3A_41 = tpu.memref_slice %arg3[%run_scoped3A_39, %add3A_28, %dma_start3A] : memref<4x1024x16xi32, #tpu.memory_space<hbm>> -> memref<1x1x16xi32, #tpu.memory_space<hbm>>
        %dma_start3A_42 = tpu.memref_squeeze %dma_start3A_41 : memref<1x1x16xi32, #tpu.memory_space<hbm>> -> memref<16xi32, #tpu.memory_space<hbm>>
        %dma_start3A_43 = arith.constant 0 : i32
        %dma_start3A_44 = tpu.memref_slice %arg3[%run_scoped3A_39, %add3A_28, %dma_start3A_43] : memref<4x1024x16xi32, #tpu.memory_space<hbm>> -> memref<1x1x16xi32, #tpu.memory_space<hbm>>
        %dma_start3A_45 = tpu.memref_squeeze %dma_start3A_44 : memref<1x1x16xi32, #tpu.memory_space<hbm>> -> memref<16xi32, #tpu.memory_space<hbm>>
        tpu.enqueue_dma source(%arg5 : memref<16xi32, #tpu.memory_space<vmem>>) target(%dma_start3A_45 : memref<16xi32, #tpu.memory_space<hbm>>) target_semaphore(%run_scoped3A_40 : memref<!tpu.dma_semaphore, #tpu.memory_space<semaphore_mem>>)
        %dma_wait3A = arith.constant 0 : i32
        %dma_wait3A_46 = tpu.memref_slice %arg3[%run_scoped3A_39, %add3A_28, %dma_wait3A] : memref<4x1024x16xi32, #tpu.memory_space<hbm>> -> memref<1x1x16xi32, #tpu.memory_space<hbm>>
        %dma_wait3A_47 = tpu.memref_squeeze %dma_wait3A_46 : memref<1x1x16xi32, #tpu.memory_space<hbm>> -> memref<16xi32, #tpu.memory_space<hbm>>
        %dma_wait3A_48 = arith.constant 0 : i32
        %dma_wait3A_49 = tpu.memref_slice %arg3[%run_scoped3A_39, %add3A_28, %dma_wait3A_48] : memref<4x1024x16xi32, #tpu.memory_space<hbm>> -> memref<1x1x16xi32, #tpu.memory_space<hbm>>
        %dma_wait3A_50 = tpu.memref_squeeze %dma_wait3A_49 : memref<1x1x16xi32, #tpu.memory_space<hbm>> -> memref<16xi32, #tpu.memory_space<hbm>>
        tpu.wait_dma2 semaphore(%run_scoped3A_40 : memref<!tpu.dma_semaphore, #tpu.memory_space<semaphore_mem>>) src(%arg5 : memref<16xi32, #tpu.memory_space<vmem>>) dst(%dma_wait3A_50 : memref<16xi32, #tpu.memory_space<hbm>>)
        tpu.yield
      }) : () -> ()
    }
    %scan3A_24 = arith.constant 32 : i32
    return
  }
}

module attributes {stable_mosaic.version = 14 : i64} {
  func.func @_scores_body(%arg0: i32, %arg1: memref<1x1024x512xf32, #tpu.memory_space<vmem>>, %arg2: memref<1x1024x512xf32, #tpu.memory_space<vmem>>, %arg3: memref<512x512xf32, #tpu.memory_space<vmem>>, %arg4: memref<512x512xf32, #tpu.memory_space<vmem>>, %arg5: memref<1x1024x1024xf32, #tpu.memory_space<vmem>>) attributes {dimension_semantics = [#tpu.dimension_semantics<arbitrary>], iteration_bounds = array<i64: 4>, scalar_prefetch = 0 : i64, scratch_operands = 0 : i64, tpu.core_type = #tpu.core_type<tc>, window_params = [{transform_indices = @transform_0, window_bounds = array<i64: 1, 1024, 512>}, {transform_indices = @transform_1, window_bounds = array<i64: 1, 1024, 512>}, {pipeline_mode = #tpu.pipeline_mode<synchronous>, transform_indices = @transform_2, window_bounds = array<i64: 512, 512>}, {pipeline_mode = #tpu.pipeline_mode<synchronous>, transform_indices = @transform_3, window_bounds = array<i64: 512, 512>}, {transform_indices = @transform_4, window_bounds = array<i64: 1, 1024, 1024>}]} {
    %get3A = arith.constant 0 : index
    %get3A_0 = arith.constant 0 : index
    %get3A_1 = arith.constant 0 : index
    %get3A_2 = vector.load %arg1[%get3A, %get3A_0, %get3A_1] : memref<1x1024x512xf32, #tpu.memory_space<vmem>>, vector<1x1024x512xf32>
    %get3A_3 = vector.shape_cast %get3A_2 : vector<1x1024x512xf32> to vector<1024x512xf32>
    %get3A_4 = arith.constant 0 : index
    %get3A_5 = arith.constant 0 : index
    %get3A_6 = arith.constant 0 : index
    %get3A_7 = vector.load %arg2[%get3A_4, %get3A_5, %get3A_6] : memref<1x1024x512xf32, #tpu.memory_space<vmem>>, vector<1x1024x512xf32>
    %get3A_8 = vector.shape_cast %get3A_7 : vector<1x1024x512xf32> to vector<1024x512xf32>
    %get3A_9 = arith.constant 0 : index
    %get3A_10 = arith.constant 0 : index
    %get3A_11 = vector.load %arg3[%get3A_9, %get3A_10] : memref<512x512xf32, #tpu.memory_space<vmem>>, vector<512x512xf32>
    %dot_general3A = arith.constant dense<0.000000e+00> : vector<1024x512xf32>
    %dot_general3A_12 = tpu.matmul %get3A_3, %get3A_11, %dot_general3A {dimension_numbers = #tpu.dot_dimension_numbers<[1], [0], [0], [1], [0, 0, 1, 1], [], []>, transpose_lhs_hint = false} : vector<1024x512xf32>, vector<512x512xf32>, vector<1024x512xf32> -> vector<1024x512xf32>
    %get3A_13 = arith.constant 0 : index
    %get3A_14 = arith.constant 0 : index
    %get3A_15 = vector.load %arg4[%get3A_13, %get3A_14] : memref<512x512xf32, #tpu.memory_space<vmem>>, vector<512x512xf32>
    %dot_general3A_16 = arith.constant dense<0.000000e+00> : vector<1024x512xf32>
    %dot_general3A_17 = tpu.matmul %get3A_8, %get3A_15, %dot_general3A_16 {dimension_numbers = #tpu.dot_dimension_numbers<[1], [0], [0], [1], [0, 0, 1, 1], [], []>, transpose_lhs_hint = false} : vector<1024x512xf32>, vector<512x512xf32>, vector<1024x512xf32> -> vector<1024x512xf32>
    %mul3A = arith.mulf %dot_general3A_12, %dot_general3A_12 : vector<1024x512xf32>
    %reduce_sum3A = arith.constant dense<0.000000e+00> : vector<1024xf32>
    %reduce_sum3A_18 = vector.multi_reduction <add>, %mul3A, %reduce_sum3A [1] : vector<1024x512xf32> to vector<1024xf32>
    %broadcast_in_dim3A = vector.shape_cast %reduce_sum3A_18 : vector<1024xf32> to vector<1024x1xf32>
    %mul3A_19 = arith.mulf %dot_general3A_17, %dot_general3A_17 : vector<1024x512xf32>
    %reduce_sum3A_20 = arith.constant dense<0.000000e+00> : vector<1024xf32>
    %reduce_sum3A_21 = vector.multi_reduction <add>, %mul3A_19, %reduce_sum3A_20 [1] : vector<1024x512xf32> to vector<1024xf32>
    %broadcast_in_dim3A_22 = vector.shape_cast %reduce_sum3A_21 : vector<1024xf32> to vector<1024x1xf32>
    %dot_general3A_23 = arith.constant dense<0.000000e+00> : vector<1024x1024xf32>
    %dot_general3A_24 = tpu.matmul %dot_general3A_17, %dot_general3A_12, %dot_general3A_23 {dimension_numbers = #tpu.dot_dimension_numbers<[1], [1], [0], [0], [0, 0, 1, 0], [], []>, transpose_lhs_hint = false} : vector<1024x512xf32>, vector<1024x512xf32>, vector<1024x1024xf32> -> vector<1024x1024xf32>
    %reshape3A = vector.shape_cast %broadcast_in_dim3A : vector<1024x1xf32> to vector<1x1024xf32>
    %add3A = vector.broadcast %broadcast_in_dim3A_22 : vector<1024x1xf32> to vector<1024x1024xf32>
    %add3A_25 = vector.broadcast %reshape3A : vector<1x1024xf32> to vector<1024x1024xf32>
    %add3A_26 = arith.addf %add3A, %add3A_25 : vector<1024x1024xf32>
    %mul3A_27 = arith.constant 2.000000e+00 : f32
    %mul3A_28 = vector.broadcast %mul3A_27 : f32 to vector<1024x1024xf32>
    %mul3A_29 = arith.mulf %mul3A_28, %dot_general3A_24 : vector<1024x1024xf32>
    %sub3A = arith.subf %add3A_26, %mul3A_29 : vector<1024x1024xf32>
    %max3A = arith.constant 0.000000e+00 : f32
    %max3A_30 = vector.broadcast %max3A : f32 to vector<1024x1024xf32>
    %max3A_31 = arith.maximumf %sub3A, %max3A_30 : vector<1024x1024xf32>
    %sqrt3A = math.sqrt %max3A_31 : vector<1024x1024xf32>
    %neg3A = arith.constant 0.000000e+00 : f32
    %neg3A_32 = vector.broadcast %neg3A : f32 to vector<1024x1024xf32>
    %neg3A_33 = arith.subf %neg3A_32, %sqrt3A : vector<1024x1024xf32>
    %exp3A = math.exp %neg3A_33 : vector<1024x1024xf32>
    %swap3A = arith.constant 0 : index
    %swap3A_34 = arith.constant 0 : index
    %swap3A_35 = arith.constant 0 : index
    %swap3A_36 = vector.load %arg5[%swap3A, %swap3A_34, %swap3A_35] : memref<1x1024x1024xf32, #tpu.memory_space<vmem>>, vector<1x1024x1024xf32>
    %swap3A_37 = vector.shape_cast %swap3A_36 : vector<1x1024x1024xf32> to vector<1024x1024xf32>
    %swap3A_38 = vector.shape_cast %exp3A : vector<1024x1024xf32> to vector<1x1024x1024xf32>
    tpu.vector_store %arg5[%swap3A, %swap3A_34, %swap3A_35], %swap3A_38 {strides = array<i32>} : memref<1x1024x1024xf32, #tpu.memory_space<vmem>>, vector<1x1024x1024xf32>,
    return
  }
  func.func @transform_0(%arg0: i32) -> (i32, i32, i32) {
    %c0_i32 = arith.constant 0 : i32
    %c0_i32_0 = arith.constant 0 : i32
    %c0_i32_1 = arith.constant 0 : i32
    return %arg0, %c0_i32, %c0_i32_0 : i32, i32, i32
  }
  func.func @transform_1(%arg0: i32) -> (i32, i32, i32) {
    %c0_i32 = arith.constant 0 : i32
    %c0_i32_0 = arith.constant 0 : i32
    %c0_i32_1 = arith.constant 0 : i32
    return %arg0, %c0_i32, %c0_i32_0 : i32, i32, i32
  }
  func.func @transform_2(%arg0: i32) -> (i32, i32) {
    %c0_i32 = arith.constant 0 : i32
    %c0_i32_0 = arith.constant 0 : i32
    %c0_i32_1 = arith.constant 0 : i32
    return %c0_i32, %c0_i32_0 : i32, i32
  }
  func.func @transform_3(%arg0: i32) -> (i32, i32) {
    %c0_i32 = arith.constant 0 : i32
    %c0_i32_0 = arith.constant 0 : i32
    %c0_i32_1 = arith.constant 0 : i32
    return %c0_i32, %c0_i32_0 : i32, i32
  }
  func.func @transform_4(%arg0: i32) -> (i32, i32, i32) {
    %c0_i32 = arith.constant 0 : i32
    %c0_i32_0 = arith.constant 0 : i32
    %c0_i32_1 = arith.constant 0 : i32
    return %arg0, %c0_i32, %c0_i32_0 : i32, i32, i32
  }
}

module attributes {stable_mosaic.version = 14 : i64} {
  func.func @_agg_body(%arg0: i32, %arg1: memref<1x1024x16xi32, #tpu.memory_space<vmem>>, %arg2: memref<1x1024x512xf32, #tpu.memory_space<vmem>>, %arg3: memref<1x1024x512xf32, #tpu.memory_space<vmem>>, %arg4: memref<1x8x512xf32, #tpu.memory_space<vmem>>, %arg5: memref<1x8x512xf32, #tpu.memory_space<vmem>>) attributes {dimension_semantics = [#tpu.dimension_semantics<arbitrary>], iteration_bounds = array<i64: 4>, scalar_prefetch = 0 : i64, scratch_operands = 0 : i64, tpu.core_type = #tpu.core_type<tc>, window_params = [{transform_indices = @transform_0, window_bounds = array<i64: 1, 1024, 16>}, {transform_indices = @transform_1, window_bounds = array<i64: 1, 1024, 512>}, {transform_indices = @transform_2, window_bounds = array<i64: 1, 1024, 512>}, {transform_indices = @transform_3, window_bounds = array<i64: 1, 8, 512>}, {transform_indices = @transform_4, window_bounds = array<i64: 1, 8, 512>}]} {
    %get3A = arith.constant 0 : index
    %get3A_0 = arith.constant 0 : index
    %get3A_1 = arith.constant 0 : index
    %get3A_2 = vector.load %arg1[%get3A, %get3A_0, %get3A_1] : memref<1x1024x16xi32, #tpu.memory_space<vmem>>, vector<1x1024x16xi32>
    %get3A_3 = vector.shape_cast %get3A_2 : vector<1x1024x16xi32> to vector<1024x16xi32>
    %iota3A = tpu.iota {dimensions = array<i32: 1>} : vector<1024x1024xi32>
    %slice3A = vector.extract_strided_slice %get3A_3 {offsets = [0, 0], sizes = [1024, 1], strides = [1, 1]} : vector<1024x16xi32> to vector<1024x1xi32>
    %eq3A = vector.broadcast %slice3A : vector<1024x1xi32> to vector<1024x1024xi32>
    %eq3A_4 = arith.cmpi eq, %eq3A, %iota3A : vector<1024x1024xi32>
    %jit3A = arith.constant 1.000000e+00 : f32
    %jit3A_5 = arith.constant 0.000000e+00 : f32
    %broadcast_in_dim3A = vector.broadcast %jit3A : f32 to vector<1024x1024xf32>
    %broadcast_in_dim3A_6 = vector.broadcast %jit3A_5 : f32 to vector<1024x1024xf32>
    %select_n3A = arith.select %eq3A_4, %broadcast_in_dim3A, %broadcast_in_dim3A_6 : vector<1024x1024xi1>, vector<1024x1024xf32>
    %reduce_sum3A = arith.constant dense<0.000000e+00> : vector<1024xf32>
    %reduce_sum3A_7 = vector.multi_reduction <add>, %select_n3A, %reduce_sum3A [0] : vector<1024x1024xf32> to vector<1024xf32>
    %broadcast_in_dim3A_8 = vector.shape_cast %reduce_sum3A_7 : vector<1024xf32> to vector<1x1024xf32>
    %slice3A_9 = vector.extract_strided_slice %get3A_3 {offsets = [0, 1], sizes = [1024, 1], strides = [1, 1]} : vector<1024x16xi32> to vector<1024x1xi32>
    %eq3A_10 = vector.broadcast %slice3A_9 : vector<1024x1xi32> to vector<1024x1024xi32>
    %eq3A_11 = arith.cmpi eq, %eq3A_10, %iota3A : vector<1024x1024xi32>
    %jit3A_12 = arith.constant 1.000000e+00 : f32
    %jit3A_13 = arith.constant 0.000000e+00 : f32
    %broadcast_in_dim3A_14 = vector.broadcast %jit3A_12 : f32 to vector<1024x1024xf32>
    %broadcast_in_dim3A_15 = vector.broadcast %jit3A_13 : f32 to vector<1024x1024xf32>
    %select_n3A_16 = arith.select %eq3A_11, %broadcast_in_dim3A_14, %broadcast_in_dim3A_15 : vector<1024x1024xi1>, vector<1024x1024xf32>
    %reduce_sum3A_17 = arith.constant dense<0.000000e+00> : vector<1024xf32>
    %reduce_sum3A_18 = vector.multi_reduction <add>, %select_n3A_16, %reduce_sum3A_17 [0] : vector<1024x1024xf32> to vector<1024xf32>
    %broadcast_in_dim3A_19 = vector.shape_cast %reduce_sum3A_18 : vector<1024xf32> to vector<1x1024xf32>
    %slice3A_20 = vector.extract_strided_slice %get3A_3 {offsets = [0, 2], sizes = [1024, 1], strides = [1, 1]} : vector<1024x16xi32> to vector<1024x1xi32>
    %eq3A_21 = vector.broadcast %slice3A_20 : vector<1024x1xi32> to vector<1024x1024xi32>
    %eq3A_22 = arith.cmpi eq, %eq3A_21, %iota3A : vector<1024x1024xi32>
    %jit3A_23 = arith.constant 1.000000e+00 : f32
    %jit3A_24 = arith.constant 0.000000e+00 : f32
    %broadcast_in_dim3A_25 = vector.broadcast %jit3A_23 : f32 to vector<1024x1024xf32>
    %broadcast_in_dim3A_26 = vector.broadcast %jit3A_24 : f32 to vector<1024x1024xf32>
    %select_n3A_27 = arith.select %eq3A_22, %broadcast_in_dim3A_25, %broadcast_in_dim3A_26 : vector<1024x1024xi1>, vector<1024x1024xf32>
    %reduce_sum3A_28 = arith.constant dense<0.000000e+00> : vector<1024xf32>
    %reduce_sum3A_29 = vector.multi_reduction <add>, %select_n3A_27, %reduce_sum3A_28 [0] : vector<1024x1024xf32> to vector<1024xf32>
    %broadcast_in_dim3A_30 = vector.shape_cast %reduce_sum3A_29 : vector<1024xf32> to vector<1x1024xf32>
    %slice3A_31 = vector.extract_strided_slice %get3A_3 {offsets = [0, 3], sizes = [1024, 1], strides = [1, 1]} : vector<1024x16xi32> to vector<1024x1xi32>
    %eq3A_32 = vector.broadcast %slice3A_31 : vector<1024x1xi32> to vector<1024x1024xi32>
    %eq3A_33 = arith.cmpi eq, %eq3A_32, %iota3A : vector<1024x1024xi32>
    %jit3A_34 = arith.constant 1.000000e+00 : f32
    %jit3A_35 = arith.constant 0.000000e+00 : f32
    %broadcast_in_dim3A_36 = vector.broadcast %jit3A_34 : f32 to vector<1024x1024xf32>
    %broadcast_in_dim3A_37 = vector.broadcast %jit3A_35 : f32 to vector<1024x1024xf32>
    %select_n3A_38 = arith.select %eq3A_33, %broadcast_in_dim3A_36, %broadcast_in_dim3A_37 : vector<1024x1024xi1>, vector<1024x1024xf32>
    %reduce_sum3A_39 = arith.constant dense<0.000000e+00> : vector<1024xf32>
    %reduce_sum3A_40 = vector.multi_reduction <add>, %select_n3A_38, %reduce_sum3A_39 [0] : vector<1024x1024xf32> to vector<1024xf32>
    %broadcast_in_dim3A_41 = vector.shape_cast %reduce_sum3A_40 : vector<1024xf32> to vector<1x1024xf32>
    %slice3A_42 = vector.extract_strided_slice %get3A_3 {offsets = [0, 4], sizes = [1024, 1], strides = [1, 1]} : vector<1024x16xi32> to vector<1024x1xi32>
    %eq3A_43 = vector.broadcast %slice3A_42 : vector<1024x1xi32> to vector<1024x1024xi32>
    %eq3A_44 = arith.cmpi eq, %eq3A_43, %iota3A : vector<1024x1024xi32>
    %jit3A_45 = arith.constant 1.000000e+00 : f32
    %jit3A_46 = arith.constant 0.000000e+00 : f32
    %broadcast_in_dim3A_47 = vector.broadcast %jit3A_45 : f32 to vector<1024x1024xf32>
    %broadcast_in_dim3A_48 = vector.broadcast %jit3A_46 : f32 to vector<1024x1024xf32>
    %select_n3A_49 = arith.select %eq3A_44, %broadcast_in_dim3A_47, %broadcast_in_dim3A_48 : vector<1024x1024xi1>, vector<1024x1024xf32>
    %reduce_sum3A_50 = arith.constant dense<0.000000e+00> : vector<1024xf32>
    %reduce_sum3A_51 = vector.multi_reduction <add>, %select_n3A_49, %reduce_sum3A_50 [0] : vector<1024x1024xf32> to vector<1024xf32>
    %broadcast_in_dim3A_52 = vector.shape_cast %reduce_sum3A_51 : vector<1024xf32> to vector<1x1024xf32>
    %slice3A_53 = vector.extract_strided_slice %get3A_3 {offsets = [0, 5], sizes = [1024, 1], strides = [1, 1]} : vector<1024x16xi32> to vector<1024x1xi32>
    %eq3A_54 = vector.broadcast %slice3A_53 : vector<1024x1xi32> to vector<1024x1024xi32>
    %eq3A_55 = arith.cmpi eq, %eq3A_54, %iota3A : vector<1024x1024xi32>
    %jit3A_56 = arith.constant 1.000000e+00 : f32
    %jit3A_57 = arith.constant 0.000000e+00 : f32
    %broadcast_in_dim3A_58 = vector.broadcast %jit3A_56 : f32 to vector<1024x1024xf32>
    %broadcast_in_dim3A_59 = vector.broadcast %jit3A_57 : f32 to vector<1024x1024xf32>
    %select_n3A_60 = arith.select %eq3A_55, %broadcast_in_dim3A_58, %broadcast_in_dim3A_59 : vector<1024x1024xi1>, vector<1024x1024xf32>
    %reduce_sum3A_61 = arith.constant dense<0.000000e+00> : vector<1024xf32>
    %reduce_sum3A_62 = vector.multi_reduction <add>, %select_n3A_60, %reduce_sum3A_61 [0] : vector<1024x1024xf32> to vector<1024xf32>
    %broadcast_in_dim3A_63 = vector.shape_cast %reduce_sum3A_62 : vector<1024xf32> to vector<1x1024xf32>
    %slice3A_64 = vector.extract_strided_slice %get3A_3 {offsets = [0, 6], sizes = [1024, 1], strides = [1, 1]} : vector<1024x16xi32> to vector<1024x1xi32>
    %eq3A_65 = vector.broadcast %slice3A_64 : vector<1024x1xi32> to vector<1024x1024xi32>
    %eq3A_66 = arith.cmpi eq, %eq3A_65, %iota3A : vector<1024x1024xi32>
    %jit3A_67 = arith.constant 1.000000e+00 : f32
    %jit3A_68 = arith.constant 0.000000e+00 : f32
    %broadcast_in_dim3A_69 = vector.broadcast %jit3A_67 : f32 to vector<1024x1024xf32>
    %broadcast_in_dim3A_70 = vector.broadcast %jit3A_68 : f32 to vector<1024x1024xf32>
    %select_n3A_71 = arith.select %eq3A_66, %broadcast_in_dim3A_69, %broadcast_in_dim3A_70 : vector<1024x1024xi1>, vector<1024x1024xf32>
    %reduce_sum3A_72 = arith.constant dense<0.000000e+00> : vector<1024xf32>
    %reduce_sum3A_73 = vector.multi_reduction <add>, %select_n3A_71, %reduce_sum3A_72 [0] : vector<1024x1024xf32> to vector<1024xf32>
    %broadcast_in_dim3A_74 = vector.shape_cast %reduce_sum3A_73 : vector<1024xf32> to vector<1x1024xf32>
    %slice3A_75 = vector.extract_strided_slice %get3A_3 {offsets = [0, 7], sizes = [1024, 1], strides = [1, 1]} : vector<1024x16xi32> to vector<1024x1xi32>
    %eq3A_76 = vector.broadcast %slice3A_75 : vector<1024x1xi32> to vector<1024x1024xi32>
    %eq3A_77 = arith.cmpi eq, %eq3A_76, %iota3A : vector<1024x1024xi32>
    %jit3A_78 = arith.constant 1.000000e+00 : f32
    %jit3A_79 = arith.constant 0.000000e+00 : f32
    %broadcast_in_dim3A_80 = vector.broadcast %jit3A_78 : f32 to vector<1024x1024xf32>
    %broadcast_in_dim3A_81 = vector.broadcast %jit3A_79 : f32 to vector<1024x1024xf32>
    %select_n3A_82 = arith.select %eq3A_77, %broadcast_in_dim3A_80, %broadcast_in_dim3A_81 : vector<1024x1024xi1>, vector<1024x1024xf32>
    %reduce_sum3A_83 = arith.constant dense<0.000000e+00> : vector<1024xf32>
    %reduce_sum3A_84 = vector.multi_reduction <add>, %select_n3A_82, %reduce_sum3A_83 [0] : vector<1024x1024xf32> to vector<1024xf32>
    %broadcast_in_dim3A_85 = vector.shape_cast %reduce_sum3A_84 : vector<1024xf32> to vector<1x1024xf32>
    %concatenate3A = tpu.concatenate %broadcast_in_dim3A_8, %broadcast_in_dim3A_19, %broadcast_in_dim3A_30, %broadcast_in_dim3A_41, %broadcast_in_dim3A_52, %broadcast_in_dim3A_63, %broadcast_in_dim3A_74, %broadcast_in_dim3A_85 in 0 : vector<1x1024xf32>, vector<1x1024xf32>, vector<1x1024xf32>, vector<1x1024xf32>, vector<1x1024xf32>, vector<1x1024xf32>, vector<1x1024xf32>, vector<1x1024xf32> -> vector<8x1024xf32>
    %get3A_86 = arith.constant 0 : index
    %get3A_87 = arith.constant 0 : index
    %get3A_88 = arith.constant 0 : index
    %get3A_89 = vector.load %arg2[%get3A_86, %get3A_87, %get3A_88] : memref<1x1024x512xf32, #tpu.memory_space<vmem>>, vector<1x1024x512xf32>
    %get3A_90 = vector.shape_cast %get3A_89 : vector<1x1024x512xf32> to vector<1024x512xf32>
    %dot_general3A = arith.constant dense<0.000000e+00> : vector<8x512xf32>
    %dot_general3A_91 = tpu.matmul %concatenate3A, %get3A_90, %dot_general3A {dimension_numbers = #tpu.dot_dimension_numbers<[1], [0], [0], [1], [0, 0, 1, 1], [], []>, precision = #tpu.contract_precision<fp32>, transpose_lhs_hint = false} : vector<8x1024xf32>, vector<1024x512xf32>, vector<8x512xf32> -> vector<8x512xf32>
    %mul3A = arith.constant 9.765625E-4 : f32
    %mul3A_92 = vector.broadcast %mul3A : f32 to vector<8x512xf32>
    %mul3A_93 = arith.mulf %dot_general3A_91, %mul3A_92 : vector<8x512xf32>
    %swap3A = arith.constant 0 : index
    %swap3A_94 = arith.constant 0 : index
    %swap3A_95 = arith.constant 0 : index
    %swap3A_96 = vector.load %arg4[%swap3A, %swap3A_94, %swap3A_95] : memref<1x8x512xf32, #tpu.memory_space<vmem>>, vector<1x8x512xf32>
    %swap3A_97 = vector.shape_cast %swap3A_96 : vector<1x8x512xf32> to vector<8x512xf32>
    %swap3A_98 = vector.shape_cast %mul3A_93 : vector<8x512xf32> to vector<1x8x512xf32>
    tpu.vector_store %arg4[%swap3A, %swap3A_94, %swap3A_95], %swap3A_98 {strides = array<i32>} : memref<1x8x512xf32, #tpu.memory_space<vmem>>, vector<1x8x512xf32>,
    %get3A_99 = arith.constant 0 : index
    %get3A_100 = arith.constant 0 : index
    %get3A_101 = arith.constant 0 : index
    %get3A_102 = vector.load %arg3[%get3A_99, %get3A_100, %get3A_101] : memref<1x1024x512xf32, #tpu.memory_space<vmem>>, vector<1x1024x512xf32>
    %get3A_103 = vector.shape_cast %get3A_102 : vector<1x1024x512xf32> to vector<1024x512xf32>
    %dot_general3A_104 = arith.constant dense<0.000000e+00> : vector<8x512xf32>
    %dot_general3A_105 = tpu.matmul %concatenate3A, %get3A_103, %dot_general3A_104 {dimension_numbers = #tpu.dot_dimension_numbers<[1], [0], [0], [1], [0, 0, 1, 1], [], []>, precision = #tpu.contract_precision<fp32>, transpose_lhs_hint = false} : vector<8x1024xf32>, vector<1024x512xf32>, vector<8x512xf32> -> vector<8x512xf32>
    %mul3A_106 = arith.constant 9.765625E-4 : f32
    %mul3A_107 = vector.broadcast %mul3A_106 : f32 to vector<8x512xf32>
    %mul3A_108 = arith.mulf %dot_general3A_105, %mul3A_107 : vector<8x512xf32>
    %swap3A_109 = arith.constant 0 : index
    %swap3A_110 = arith.constant 0 : index
    %swap3A_111 = arith.constant 0 : index
    %swap3A_112 = vector.load %arg5[%swap3A_109, %swap3A_110, %swap3A_111] : memref<1x8x512xf32, #tpu.memory_space<vmem>>, vector<1x8x512xf32>
    %swap3A_113 = vector.shape_cast %swap3A_112 : vector<1x8x512xf32> to vector<8x512xf32>
    %swap3A_114 = vector.shape_cast %mul3A_108 : vector<8x512xf32> to vector<1x8x512xf32>
    tpu.vector_store %arg5[%swap3A_109, %swap3A_110, %swap3A_111], %swap3A_114 {strides = array<i32>} : memref<1x8x512xf32, #tpu.memory_space<vmem>>, vector<1x8x512xf32>,
    return
  }
  func.func @transform_0(%arg0: i32) -> (i32, i32, i32) {
    %c0_i32 = arith.constant 0 : i32
    %c0_i32_0 = arith.constant 0 : i32
    %c0_i32_1 = arith.constant 0 : i32
    return %arg0, %c0_i32, %c0_i32_0 : i32, i32, i32
  }
  func.func @transform_1(%arg0: i32) -> (i32, i32, i32) {
    %c0_i32 = arith.constant 0 : i32
    %c0_i32_0 = arith.constant 0 : i32
    %c0_i32_1 = arith.constant 0 : i32
    return %arg0, %c0_i32, %c0_i32_0 : i32, i32, i32
  }
  func.func @transform_2(%arg0: i32) -> (i32, i32, i32) {
    %c0_i32 = arith.constant 0 : i32
    %c0_i32_0 = arith.constant 0 : i32
    %c0_i32_1 = arith.constant 0 : i32
    return %arg0, %c0_i32, %c0_i32_0 : i32, i32, i32
  }
  func.func @transform_3(%arg0: i32) -> (i32, i32, i32) {
    %c0_i32 = arith.constant 0 : i32
    %c0_i32_0 = arith.constant 0 : i32
    %c0_i32_1 = arith.constant 0 : i32
    return %arg0, %c0_i32, %c0_i32_0 : i32, i32, i32
  }
  func.func @transform_4(%arg0: i32) -> (i32, i32, i32) {
    %c0_i32 = arith.constant 0 : i32
    %c0_i32_0 = arith.constant 0 : i32
    %c0_i32_1 = arith.constant 0 : i32
    return %arg0, %c0_i32, %c0_i32_0 : i32, i32, i32
  }
}

module attributes {stable_mosaic.version = 14 : i64} {
  func.func @_gate_body(%arg0: i32, %arg1: memref<1x1024x512xf32, #tpu.memory_space<vmem>>, %arg2: memref<1x1024x512xf32, #tpu.memory_space<vmem>>, %arg3: memref<512x512xf32, #tpu.memory_space<vmem>>, %arg4: memref<512x512xf32, #tpu.memory_space<vmem>>, %arg5: memref<1x8x512xf32, #tpu.memory_space<vmem>>, %arg6: memref<1x8x512xf32, #tpu.memory_space<vmem>>, %arg7: memref<1x8x128xf32, #tpu.memory_space<vmem>>) attributes {dimension_semantics = [#tpu.dimension_semantics<arbitrary>], iteration_bounds = array<i64: 4>, scalar_prefetch = 0 : i64, scratch_operands = 0 : i64, tpu.core_type = #tpu.core_type<tc>, window_params = [{transform_indices = @transform_0, window_bounds = array<i64: 1, 1024, 512>}, {transform_indices = @transform_1, window_bounds = array<i64: 1, 1024, 512>}, {pipeline_mode = #tpu.pipeline_mode<synchronous>, transform_indices = @transform_2, window_bounds = array<i64: 512, 512>}, {pipeline_mode = #tpu.pipeline_mode<synchronous>, transform_indices = @transform_3, window_bounds = array<i64: 512, 512>}, {transform_indices = @transform_4, window_bounds = array<i64: 1, 8, 512>}, {transform_indices = @transform_5, window_bounds = array<i64: 1, 8, 512>}, {transform_indices = @transform_6, window_bounds = array<i64: 1, 8, 128>}]} {
    %get3A = arith.constant 0 : index
    %get3A_0 = arith.constant 0 : index
    %get3A_1 = arith.constant 0 : index
    %get3A_2 = vector.load %arg1[%get3A, %get3A_0, %get3A_1] : memref<1x1024x512xf32, #tpu.memory_space<vmem>>, vector<1x1024x512xf32>
    %get3A_3 = vector.shape_cast %get3A_2 : vector<1x1024x512xf32> to vector<1024x512xf32>
    %get3A_4 = arith.constant 0 : index
    %get3A_5 = arith.constant 0 : index
    %get3A_6 = arith.constant 0 : index
    %get3A_7 = vector.load %arg2[%get3A_4, %get3A_5, %get3A_6] : memref<1x1024x512xf32, #tpu.memory_space<vmem>>, vector<1x1024x512xf32>
    %get3A_8 = vector.shape_cast %get3A_7 : vector<1x1024x512xf32> to vector<1024x512xf32>
    %get3A_9 = arith.constant 0 : index
    %get3A_10 = arith.constant 0 : index
    %get3A_11 = vector.load %arg3[%get3A_9, %get3A_10] : memref<512x512xf32, #tpu.memory_space<vmem>>, vector<512x512xf32>
    %dot_general3A = arith.constant dense<0.000000e+00> : vector<1024x512xf32>
    %dot_general3A_12 = tpu.matmul %get3A_3, %get3A_11, %dot_general3A {dimension_numbers = #tpu.dot_dimension_numbers<[1], [0], [0], [1], [0, 0, 1, 1], [], []>, transpose_lhs_hint = false} : vector<1024x512xf32>, vector<512x512xf32>, vector<1024x512xf32> -> vector<1024x512xf32>
    %get3A_13 = arith.constant 0 : index
    %get3A_14 = arith.constant 0 : index
    %get3A_15 = vector.load %arg4[%get3A_13, %get3A_14] : memref<512x512xf32, #tpu.memory_space<vmem>>, vector<512x512xf32>
    %dot_general3A_16 = arith.constant dense<0.000000e+00> : vector<1024x512xf32>
    %dot_general3A_17 = tpu.matmul %get3A_8, %get3A_15, %dot_general3A_16 {dimension_numbers = #tpu.dot_dimension_numbers<[1], [0], [0], [1], [0, 0, 1, 1], [], []>, transpose_lhs_hint = false} : vector<1024x512xf32>, vector<512x512xf32>, vector<1024x512xf32> -> vector<1024x512xf32>
    %mul3A = arith.mulf %dot_general3A_12, %dot_general3A_12 : vector<1024x512xf32>
    %reduce_sum3A = arith.constant dense<0.000000e+00> : vector<1024xf32>
    %reduce_sum3A_18 = vector.multi_reduction <add>, %mul3A, %reduce_sum3A [1] : vector<1024x512xf32> to vector<1024xf32>
    %broadcast_in_dim3A = vector.shape_cast %reduce_sum3A_18 : vector<1024xf32> to vector<1024x1xf32>
    %mul3A_19 = arith.mulf %dot_general3A_17, %dot_general3A_17 : vector<1024x512xf32>
    %reduce_sum3A_20 = arith.constant dense<0.000000e+00> : vector<1024xf32>
    %reduce_sum3A_21 = vector.multi_reduction <add>, %mul3A_19, %reduce_sum3A_20 [1] : vector<1024x512xf32> to vector<1024xf32>
    %broadcast_in_dim3A_22 = vector.shape_cast %reduce_sum3A_21 : vector<1024xf32> to vector<1024x1xf32>
    %dot_general3A_23 = arith.constant dense<0.000000e+00> : vector<1024x1024xf32>
    %dot_general3A_24 = tpu.matmul %dot_general3A_12, %dot_general3A_17, %dot_general3A_23 {dimension_numbers = #tpu.dot_dimension_numbers<[1], [1], [0], [0], [0, 0, 1, 0], [], []>, transpose_lhs_hint = false} : vector<1024x512xf32>, vector<1024x512xf32>, vector<1024x1024xf32> -> vector<1024x1024xf32>
    %mul3A_25 = arith.constant 2.000000e+00 : f32
    %mul3A_26 = vector.broadcast %mul3A_25 : f32 to vector<1024x1024xf32>
    %mul3A_27 = arith.mulf %mul3A_26, %dot_general3A_24 : vector<1024x1024xf32>
    %sub3A = vector.broadcast %broadcast_in_dim3A : vector<1024x1xf32> to vector<1024x1024xf32>
    %sub3A_28 = arith.subf %sub3A, %mul3A_27 : vector<1024x1024xf32>
    %reduce_min3A = arith.constant dense<0x7F800000> : vector<1024xf32>
    %reduce_min3A_29 = vector.multi_reduction <minimumf>, %sub3A_28, %reduce_min3A [0] : vector<1024x1024xf32> to vector<1024xf32>
    %broadcast_in_dim3A_30 = vector.shape_cast %reduce_min3A_29 : vector<1024xf32> to vector<1x1024xf32>
    %reshape3A = vector.shape_cast %broadcast_in_dim3A_22 : vector<1024x1xf32> to vector<1x1024xf32>
    %add3A = arith.addf %broadcast_in_dim3A_30, %reshape3A : vector<1x1024xf32>
    %reduce_min3A_31 = vector.shape_cast %add3A : vector<1x1024xf32> to vector<1x1x1024xf32>
    %reduce_min3A_32 = arith.constant dense<0x7F800000> : vector<1xf32>
    %reduce_min3A_33 = vector.multi_reduction <minimumf>, %reduce_min3A_31, %reduce_min3A_32 [1, 2] : vector<1x1x1024xf32> to vector<1xf32>
    %reduce_min3A_34 = vector.shape_cast %reduce_min3A_33 : vector<1xf32> to vector<1x1x1xf32>
    %reduce_min3A_35 = vector.extract %reduce_min3A_34[0, 0, 0] : f32 from vector<1x1x1xf32>
    %gt3A = arith.constant 1.100000e+04 : f32
    %gt3A_36 = arith.cmpf ogt, %reduce_min3A_35, %gt3A : f32
    %slice3A = vector.extract_strided_slice %get3A_3 {offsets = [0, 0], sizes = [8, 512], strides = [1, 1]} : vector<1024x512xf32> to vector<8x512xf32>
    %swap3A = arith.constant 0 : index
    %swap3A_37 = arith.constant 0 : index
    %swap3A_38 = arith.constant 0 : index
    %swap3A_39 = vector.load %arg5[%swap3A, %swap3A_37, %swap3A_38] : memref<1x8x512xf32, #tpu.memory_space<vmem>>, vector<1x8x512xf32>
    %swap3A_40 = vector.shape_cast %swap3A_39 : vector<1x8x512xf32> to vector<8x512xf32>
    %swap3A_41 = vector.shape_cast %slice3A : vector<8x512xf32> to vector<1x8x512xf32>
    tpu.vector_store %arg5[%swap3A, %swap3A_37, %swap3A_38], %swap3A_41 {strides = array<i32>} : memref<1x8x512xf32, #tpu.memory_space<vmem>>, vector<1x8x512xf32>,
    %slice3A_42 = vector.extract_strided_slice %get3A_8 {offsets = [0, 0], sizes = [8, 512], strides = [1, 1]} : vector<1024x512xf32> to vector<8x512xf32>
    %swap3A_43 = arith.constant 0 : index
    %swap3A_44 = arith.constant 0 : index
    %swap3A_45 = arith.constant 0 : index
    %swap3A_46 = vector.load %arg6[%swap3A_43, %swap3A_44, %swap3A_45] : memref<1x8x512xf32, #tpu.memory_space<vmem>>, vector<1x8x512xf32>
    %swap3A_47 = vector.shape_cast %swap3A_46 : vector<1x8x512xf32> to vector<8x512xf32>
    %swap3A_48 = vector.shape_cast %slice3A_42 : vector<8x512xf32> to vector<1x8x512xf32>
    tpu.vector_store %arg6[%swap3A_43, %swap3A_44, %swap3A_45], %swap3A_48 {strides = array<i32>} : memref<1x8x512xf32, #tpu.memory_space<vmem>>, vector<1x8x512xf32>,
    %jit3A = arith.constant 1.000000e+00 : f32
    %jit3A_49 = arith.constant 0.000000e+00 : f32
    %select_n3A = arith.select %gt3A_36, %jit3A, %jit3A_49 : f32
    %broadcast_in_dim3A_50 = vector.broadcast %select_n3A : f32 to vector<8x128xf32>
    %swap3A_51 = arith.constant 0 : index
    %swap3A_52 = arith.constant 0 : index
    %swap3A_53 = arith.constant 0 : index
    %swap3A_54 = vector.load %arg7[%swap3A_51, %swap3A_52, %swap3A_53] : memref<1x8x128xf32, #tpu.memory_space<vmem>>, vector<1x8x128xf32>
    %swap3A_55 = vector.shape_cast %swap3A_54 : vector<1x8x128xf32> to vector<8x128xf32>
    %swap3A_56 = vector.shape_cast %broadcast_in_dim3A_50 : vector<8x128xf32> to vector<1x8x128xf32>
    tpu.vector_store %arg7[%swap3A_51, %swap3A_52, %swap3A_53], %swap3A_56 {strides = array<i32>} : memref<1x8x128xf32, #tpu.memory_space<vmem>>, vector<1x8x128xf32>,
    return
  }
  func.func @transform_0(%arg0: i32) -> (i32, i32, i32) {
    %c0_i32 = arith.constant 0 : i32
    %c0_i32_0 = arith.constant 0 : i32
    %c0_i32_1 = arith.constant 0 : i32
    return %arg0, %c0_i32, %c0_i32_0 : i32, i32, i32
  }
  func.func @transform_1(%arg0: i32) -> (i32, i32, i32) {
    %c0_i32 = arith.constant 0 : i32
    %c0_i32_0 = arith.constant 0 : i32
    %c0_i32_1 = arith.constant 0 : i32
    return %arg0, %c0_i32, %c0_i32_0 : i32, i32, i32
  }
  func.func @transform_2(%arg0: i32) -> (i32, i32) {
    %c0_i32 = arith.constant 0 : i32
    %c0_i32_0 = arith.constant 0 : i32
    %c0_i32_1 = arith.constant 0 : i32
    return %c0_i32, %c0_i32_0 : i32, i32
  }
  func.func @transform_3(%arg0: i32) -> (i32, i32) {
    %c0_i32 = arith.constant 0 : i32
    %c0_i32_0 = arith.constant 0 : i32
    %c0_i32_1 = arith.constant 0 : i32
    return %c0_i32, %c0_i32_0 : i32, i32
  }
  func.func @transform_4(%arg0: i32) -> (i32, i32, i32) {
    %c0_i32 = arith.constant 0 : i32
    %c0_i32_0 = arith.constant 0 : i32
    %c0_i32_1 = arith.constant 0 : i32
    return %arg0, %c0_i32, %c0_i32_0 : i32, i32, i32
  }
  func.func @transform_5(%arg0: i32) -> (i32, i32, i32) {
    %c0_i32 = arith.constant 0 : i32
    %c0_i32_0 = arith.constant 0 : i32
    %c0_i32_1 = arith.constant 0 : i32
    return %arg0, %c0_i32, %c0_i32_0 : i32, i32, i32
  }
  func.func @transform_6(%arg0: i32) -> (i32, i32, i32) {
    %c0_i32 = arith.constant 0 : i32
    %c0_i32_0 = arith.constant 0 : i32
    %c0_i32_1 = arith.constant 0 : i32
    return %arg0, %c0_i32, %c0_i32_0 : i32, i32, i32
  }
}

</mosaic_0001>

<sc_bundles>
// kernel: branch_0_fun.5.cloned.1.call-start
scs
__scs_entry_jumppad:
0x0: {  	(pc) =	sbr.rel $0x88, $3  }
0x1: {  	(tag) =	ssettag $0x0;
	lr =	simm.s32 $0x1  }
0x2: {  	[smem:$0x3F9D] =	sst lr;
	_ =	strace $0xD0000000  }
0x3: {  	_ = 	snop  }
0x4: {  	_ = 	snop  }
0x5: {  	_ = 	snop  }
0x6: {  	_ = 	snop  }
0x7: {  	_ = 	snop  }
__scs_overlays_trampoline_lowered:
0x8: {  	[smem:$0x3FAC] =	sst s0  }
0x9: {  	[smem:$0x3FAD] =	sst s1  }
0xa: {  	[smem:$0x3FAE] =	sst s2  }
0xb: {  	[smem:$0x3FAF] =	sst s3  }
0xc: {  	[smem:$0x3FB0] =	sst s4  }
0xd: {  	[smem:$0x3FB1] =	sst s5  }
0xe: {  	[smem:$0x3FB2] =	sst s6  }
0xf: {  	[smem:$0x3FB3] =	sst s7  }
0x10: {  	[smem:$0x3FB4] =	sst s8  }
0x11: {  	[smem:$0x3FB5] =	sst s9;
	s0 =	simm.s32 @!p0 $0x0  }
0x12: {  	s1 =	sld [smem:$0x3F9B];
	s0 =	simm.s32 @p0 $0x1  }
0x13: {  	[smem:$0x3FB6] =	sst s0;
	s0 =	simm.s32 @!p1 $0x0  }
0x14: {  	s2 =	sld [smem:$0x3F9A];
	s0 =	simm.s32 @p1 $0x1  }
0x15: {  	[smem:$0x3FB7] =	sst s0;
	s0 =	simm.s32 @!p2 $0x0  }
0x16: {  	s3 =	sld [smem:$0x3FDB];
	s0 =	simm.s32 @p2 $0x1  }
0x17: {  	s4 =	simm.s32 $0x1BF5;
	[smem:$0x3FB9] =	sst s0  }
0x18: {  	s0 =	sld [smem:$0x3F9C];
	_ =	swait.ge [sflag:s4], $0x0  }
0x19: {  	s7 =	sld [smem:$0x3F9D]  }
0x1a: {  	s8 =	sadd.s32 $0xFFFFE003, lr  }
0x1b: {  	s9 =	sadd.s32 $0xFFFFFEF7, lr;
	s5 =	simm.s32 $0xFFFFFFFF;
	p2 =	slt.u32 s8, $0xFFFFF086  }
0x1c: {  	p1 =	slt.u32 s9, $0xF7A;
	s5 =	simm.s32 @!p2 $0x0  }
0x1d: {  	s5 =	simm.s32 @p1 $0x1;
	p0 =	seq.s32 s7, s2  }
0x1e: {  	s7 =	smul.u32 @!p0 $0xF7A, s2;
	p2 =	seq.s32 @!p0 s5, $0x0  }
0x1f: {  	s9 =	smul.u32 $0xF7A, s1;
	s8 =	simm.s32 @!p0 $0x1BF5;
	p2 =	por !p2, p0  }
0x20: {  	[sflag:s8] =	ssyncset.s32 @!p0 $0xFFFFF086;
	s6 =	sadd.s32 @!p0 s3, s7;
	s7 =	simm.s32 @!p0 $0x108  }
0x21: {  	s3 =	sadd.s32 s3, s9;
	s6 =	sadd.s32 @!p0 $0x88, s6;
	s7 =	simm.s32 @p2 $0x1082  }
0x22: {  	[simem:s7], [sflag:s8] =	dma.local @!p0 [hbm:s6], $0xF7A  }
0x23: {  	s9 =	sor.u32 $0xD0000000, s2;
	s6 =	simm.s32 $0x108;
	_ =	swait.ge @!p0 [sflag:s8], $0x0  }
0x24: {  	s3 =	sadd.s32 $0x88, s3;
	s6 =	simm.s32 @!p1 $0x1082;
	[sflag:s4] =	ssyncset.s32 $0xFFFFF086  }
0x25: {  	[simem:s6], [sflag:s4] =	dma.local [hbm:s3], $0xF7A  }
0x26: {  	[smem:$0x3F9D] =	sst s1;
	(tag) =	ssettag s2;
	_ =	strace s9  }
0x27: {  	s1 =	sld [smem:$0x3FAD]  }
0x28: {  	s2 =	sld [smem:$0x3FAE]  }
0x29: {  	s4 =	sld [smem:$0x3FB0]  }
0x2a: {  	p0 =	seq.s32 s5, $0x0;
	s5 =	sld [smem:$0x3FB1]  }
0x2b: {  	s6 =	sld [smem:$0x3FB2]  }
0x2c: {  	s7 =	sld [smem:$0x3FB3]  }
0x2d: {  	s3 =	simm.s32 $0x108;
	s8 =	sld [smem:$0x3FB4]  }
0x2e: {  	s3 =	simm.s32 @!p0 $0x1082;
	s9 =	sld [smem:$0x3FB5]  }
0x2f: {  	lr =	sadd.s32 s0, s3;
	s0 =	sld [smem:$0x3FAC]  }
0x30: {  	s3 =	sld [smem:$0x3FAF]  }
0x31: {  	[smem:$0x3FB8] =	sst s10  }
0x32: {  	s10 =	sld [smem:$0x3FB6];
	_ =	sdelay $0x3  }
0x33: {  	p0 =	seq.s32 s10, $0x1;
	s10 =	sld [smem:$0x3FB8];
	_ =	sdelay $0x3  }
0x34: {  	[smem:$0x3FB8] =	sst s10  }
0x35: {  	s10 =	sld [smem:$0x3FB7];
	_ =	sdelay $0x3  }
0x36: {  	p1 =	seq.s32 s10, $0x1;
	s10 =	sld [smem:$0x3FB8];
	_ =	sdelay $0x3  }
0x37: {  	[smem:$0x3FB8] =	sst s10  }
0x38: {  	s10 =	sld [smem:$0x3FB9]  }
0x39: {  	_ = 	snop;
	(pc) =	sbr.ind lr, $3  }
0x3a: {  	_ = 	snop  }
0x3b: {  	_ = 	snop  }
0x3c: {  	p2 =	seq.s32 s10, $0x1;
	s10 =	sld [smem:$0x3FB8]  }
0x3d: {  	_ =	shalt  }
0x3e: {  	_ =	shalt  }
0x3f: {  	_ =	shalt  }
0x40: {  	_ =	shalt  }
0x41: {  	_ =	shalt  }
0x42: {  	_ =	shalt  }
0x43: {  	_ =	shalt  }
0x44: {  	_ =	shalt  }
0x45: {  	_ =	shalt  }
0x46: {  	_ =	shalt  }
0x47: {  	_ =	shalt  }
0x48: {  	_ =	shalt  }
0x49: {  	_ =	shalt  }
0x4a: {  	_ =	shalt  }
0x4b: {  	_ =	shalt  }
0x4c: {  	_ =	shalt  }
0x4d: {  	_ =	shalt  }
0x4e: {  	_ =	shalt  }
0x4f: {  	_ =	shalt  }
0x50: {  	_ =	shalt  }
0x51: {  	_ =	shalt  }
0x52: {  	_ =	shalt  }
0x53: {  	_ =	shalt  }
0x54: {  	_ =	shalt  }
0x55: {  	_ =	shalt  }
0x56: {  	_ =	shalt  }
0x57: {  	_ =	shalt  }
0x58: {  	_ =	shalt  }
0x59: {  	_ =	shalt  }
0x5a: {  	_ =	shalt  }
0x5b: {  	_ =	shalt  }
0x5c: {  	_ =	shalt  }
0x5d: {  	_ =	shalt  }
0x5e: {  	_ =	shalt  }
0x5f: {  	_ =	shalt  }
0x60: {  	_ =	shalt  }
0x61: {  	_ =	shalt  }
0x62: {  	_ =	shalt  }
0x63: {  	_ =	shalt  }
0x64: {  	_ =	shalt  }
0x65: {  	_ =	shalt  }
0x66: {  	_ =	shalt  }
0x67: {  	_ =	shalt  }
0x68: {  	_ =	shalt  }
0x69: {  	_ =	shalt  }
0x6a: {  	_ =	shalt  }
0x6b: {  	_ =	shalt  }
0x6c: {  	_ =	shalt  }
0x6d: {  	_ =	shalt  }
0x6e: {  	_ =	shalt  }
0x6f: {  	_ =	shalt  }
0x70: {  	_ =	shalt  }
0x71: {  	_ =	shalt  }
0x72: {  	_ =	shalt  }
0x73: {  	_ =	shalt  }
0x74: {  	_ =	shalt  }
0x75: {  	_ =	shalt  }
0x76: {  	_ =	shalt  }
0x77: {  	_ =	shalt  }
0x78: {  	_ =	shalt  }
0x79: {  	_ =	shalt  }
0x7a: {  	_ =	shalt  }
0x7b: {  	_ =	shalt  }
0x7c: {  	_ =	shalt  }
0x7d: {  	_ =	shalt  }
0x7e: {  	_ =	shalt  }
0x7f: {  	_ =	shalt  }
0x80: {  	_ =	shalt  }
0x81: {  	_ =	shalt  }
0x82: {  	_ =	shalt  }
0x83: {  	_ =	shalt  }
0x84: {  	_ =	shalt  }
0x85: {  	_ =	shalt  }
0x86: {  	_ =	shalt  }
0x87: {  	_ =	shalt  }
.Lfunc_end0:
.L_simem_size_0:
called_computation_lowered:
.L_overlay_start_0:
0x88: {  	s2 =	sld [smem:$0x3FD9]  }
0x89: {  	s3 =	sld [smem:$0x3FFE];
	_ =	sdelay $0x1  }
0x8a: {  	s1 =	srdreg.scid  }
0x8b: {  	s0 =	sand.u32 $0x1, s1  }
0x8c: {  	s16 =	sshll.u32 s0, $0xA;
	s2 =	sadd.s32 s3, s2  }
0x8d: {  	s2 =	sadd.s32 s2, s16  }
0x8e: {  	[smem:$0x3FC4] =	sst s2  }
0x8f: {  	_ = 	snop  }
0x90: {  	(tm) =	ssettm $0x1  }
0x91: {  	s17 =	sld [smem:$0x3FFB];
	_ =	sdelay $0x3  }
0x92: {  	_ =	strace s17  }
0x93: {  	s2 =	sld [smem:$0x3FFC];
	_ =	sdelay $0x3  }
0x94: {  	_ =	strace s2  }
0x95: {  	s2 =	sld [smem:$0x3FFD];
	_ =	sdelay $0x3  }
0x96: {  	_ =	strace s2  }
0x97: {  	_ =	strace $0x8FFFFFFF  }
0x98: {  	s18 =	sld [smem:$0x3FDB];
	_ =	sdelay $0x1  }
0x99: {  	s19 =	simm.s32 $_scs_section_size  }
0x9a: {  	s4 =	simm.s32 $_size__tile_overlayer_lowered;
	s5 =	simm.s32 $_tile_overlayer_lowered  }
0x9b: {  	s22 =	simm.s32 $0x1BFF;
	s21 =	sshll.u32 s5, $0x1;
	s2 =	sadd.s32 s19, s18  }
0x9c: {  	s6 =	simm.s32 $0x0;
	s20 =	sshll.u32 s4, $0x1;
	s4 =	sadd.s32 s21, s2  }
0x9d: {  	[timem:s6], [sflag:s22] =	dma.local [hbm:s4], s20  }
0x9e: {  	_ =	swait.ge [sflag:s22], s20  }
0x9f: {  	s3 =	ssub.s32 $0x0, s20;
	[sflag:s22] =	ssyncset.done $0x0  }
0xa0: {  	[sflag:s22] =	ssyncadd.s32 s3;
	_ =	sdelay $0x1  }
0xa1: {  	s23 =	simm.s32 $0x1B8B  }
0xa2: {  	_ =	swait.ge [sflag:s23], $0x1  }
0xa3: {  	[sflag:s23] =	ssyncset.done $0x0  }
0xa4: {  	s25 =	simm.s32 $0x1B8E;
	s24 =	sld [smem:$0x3FFE];
	[sflag:s23] =	ssyncadd.s32 $0xFFFFFFFF  }
0xa5: {  	s26 =	simm.s32 $execute0_lowered;
	[smem:$0x3FD2] =	sst s25  }
0xa6: {  	s4 =	sshll.u32 s26, $0x1;
	_ =	strace $0x80000046;
	[dreg:$0x1] =	wrdreg $0xFFFFFFFF  }
0xa7: {  	s28 =	simm.s32 $_size_execute0_lowered;
	s2 =	sadd.s32 s2, s4;
	[dreg:$0x0] =	wrdreg $0x0  }
0xa8: {  	s4 =	sshll.u32 s28, $0x1;
	[dreg:$0x2] =	wrdreg s2  }
0xa9: {  	[dreg:$0x3] =	wrdreg s4  }
0xaa: {  	[dreg:$0x4] =	wrdreg $0xC0  }
0xab: {  	_ =	task [dreg:s6], $0x5FFFF  }
0xac: {  	[dreg:$0x1] =	wrdreg $0xFFFFFFFF  }
0xad: {  	[dreg:$0x0] =	wrdreg $0x60  }
0xae: {  	[dreg:$0x2] =	wrdreg s24  }
0xaf: {  	[dreg:$0x3] =	wrdreg $0x9  }
0xb0: {  	_ =	task.clear_ibuf [dreg:s6], $0x4FFFF;
	_ =	strace $0x90000046  }
0xb1: {  	s29 =	simm.s32 $0x9;
	_ =	strace $0x80000048  }
0xb2: {  	_ =	swait.ge [sflag:s29], $0x1  }
0xb3: {  	[sflag:s29] =	ssyncadd.s32 $0xFFFFFFFF  }
0xb4: {  	_ =	strace $0x90000048  }
0xb5: {  	_ =	sfence  }
0xb6: {  	s30 =	sld [smem:$0x0];
	_ =	sdelay $0x2  }
0xb7: {  	s31 =	sshll.u32 s1, $0xD;
	s1 =	sshrl.u32 s1, $0x2  }
0xb8: {  	s3 =	sand.u32 $0x4000, s31;
	s1 =	sadd.s32 s1, s30  }
0xb9: {  	s0 =	sor.u32 s3, s0;
	s1 =	sshll.u32 s1, $0x11  }
0xba: {  	s0 =	sor.u32 s1, s0  }
0xbb: {  	s0 =	sadd.s32 $0x8F2B, s0  }
0xbc: {  	[sflag:s0] =	ssyncadd.remote.s32 $0x1  }
0xbd: {  	_ =	sfence.sel $0xFFFF  }
0xbe: {  	[dreg:$0x0] =	wrdreg $0xFFFFFFFF;
	(pc) =	sbr.abs _section_cstart, $3  }
0xbf: {  	[dreg:$0x1] =	wrdreg $0xFFFFFFFF  }
0xc0: {  	_ =	task.clear_ibuf [dreg:s6], $0x2FFFF;
	_ =	strace $0x9FFFFFFF  }
0xc1: {  	(tm) =	ssettm $0x7FFFFFFF  }
tec
execute0_lowered:
.L_overlay_start_1:
0x0: {  	(tag) =	ssettag $0x1  }
0x1: {  	v0 =	vimm.f32 $1.500000000e+01;
	vm0 =	vcmask $0x300  }
0x2: {  	vm14 =	vcmask $0x704;
	v0 =	vsel vm0, $0x0, v0  }
0x3: {  	vm15 =	vcmask $0xB08;
	v0 =	vsel vm14, $0x3F800000, v0  }
0x4: {  	vm4 =	vcmask $0xF0C;
	v0 =	vsel vm15, $0x40000000, v0  }
0x5: {  	vm5 =	vcmask $0x1310;
	v0 =	vsel vm4, $0x40400000, v0  }
0x6: {  	vm6 =	vcmask $0x1714;
	v0 =	vsel vm5, $0x40800000, v0  }
0x7: {  	vm7 =	vcmask $0x1B18;
	v1 =	vsel vm6, $0x40A00000, v0  }
0x8: {  	vm8 =	vcmask $0x1F1C;
	vm9 =	vcmask $0x2320;
	v2 =	vsel vm7, $0x40C00000, v1  }
0x9: {  	vm10 =	vcmask $0x2724;
	vm11 =	vcmask $0x2B28;
	v3 =	vsel vm8, $0x40E00000, v2  }
0xa: {  	vm12 =	vcmask $0x2F2C;
	v7 =	vimm.s32 $0xBA987654;
	v4 =	vsel vm9, $0x41000000, v3  }
0xb: {  	vm13 =	vcmask $0x3330;
	v10 =	vimm.s32 $0xFEDCBA98;
	v5 =	vsel vm10, $0x41100000, v4  }
0xc: {  	v11 =	vimm.s32 $0x10FEDCBA;
	v13 =	vimm.s32 $0x87654321;
	v5 =	vsel vm11, $0x41200000, v5  }
0xd: {  	v10 =	vunpack.c.l.s4.s8 v10;
	v6 =	vsel vm12, $0x41300000, v5;
	v5 =	vimm.s32 $0x3210FEDC  }
0xe: {  	v7 =	vunpack.c.l.s4.s8 v7;
	v13 =	vunpack.c.l.s4.s8 v13;
	v8 =	vunpack.c.l.s4.s8 v5  }
0xf: {  	vm14 =	vcmask $0x3734;
	v10 =	vunpack.c.0.s8.s32 v10;
	v6 =	vsel vm13, $0x41400000, v6  }
0x10: {  	v7 =	vunpack.c.0.s8.s32 v7;
	v9 =	vsel vm14, $0x41500000, v6;
	v6 =	vunpack.c.0.s8.s32 v8  }
0x11: {  	v13 =	vunpack.c.0.s8.s32 v13;
	vm15 =	vcmask $0x3B38;
	v10 =	vand.u32 $0xF, v10  }
0x12: {  	v0 =	vimm.s32 $0x0;
	v1 =	vimm.s32 $0x1;
	v12 =	vcombine.low v7, v6  }
0x13: {  	s3 =	rddreg [dreg:$0x0];
	v6 =	vunpack.c.l.s4.s8 v11;
	v7 =	vimm.s32 $0x98765432;
	v11 =	vimm.s32 $0xFEDCBA9  }
0x14: {  	s0 =	rddreg [dreg:$0x1];
	s1 =	simm.s32 $0x0;
	v8 =	vimm.s32 $0x76543210;
	v7 =	vunpack.c.l.s4.s8 v7;
	v11 =	vunpack.c.l.s4.s8 v11  }
0x15: {  	s2 =	srdreg.scid;
	s8 =	simm.s32 $0x400;
	s9 =	simm.s32 $0x1;
	v2 =	vimm.s32 $0x2;
	v3 =	vimm.s32 $0x3;
	v8 =	vunpack.c.l.s4.s8 v8  }
0x16: {  	s10 =	simm.s32 $0x0;
	[smem:$0x7FF] =	sst s1;
	s5 =	sand.u32 $0x1, s2;
	v6 =	vunpack.c.0.s8.s32 v6;
	v7 =	vunpack.c.0.s8.s32 v7;
	v11 =	vunpack.c.0.s8.s32 v11  }
0x17: {  	s2 =	sadd.s32 $0x2600, s3;
	s4 =	sadd.s32 $0x82600, s3;
	s6 =	ssub.s32 $0x2, s5;
	v4 =	vimm.s32 $0x4;
	v5 =	vimm.s32 $0x5;
	v15 =	vunpack.c.0.s8.s32 v8  }
0x18: {  	s3 =	stileid.u32;
	_ =	strace $0x80000047;
	s7 =	sshrl.u32 s6, $0x1;
	v8 =	vimm.s32 $0x7;
	v14 =	vcombine.low v7, v6;
	v13 =	vcombine.low v13, v11  }
0x19: {  	s31 =	sshll.u32 s3, $0x6;
	s5 =	sshll.u32 s5, $0x5;
	s6 =	ssub.s32 s6, s7;
	v6 =	vimm.s32 $0x6;
	v7 =	vsel vm15, $0x41600000, v9;
	v9 =	vcombine.low v10, v15  }
0x1a: {  	s5 =	sor.u32 s5, s31;
	s7 =	simm.s32 $0x80;
	s6 =	smax.u32 s6, $0x1;
	v10 =	vand.u32 $0xF, v12;
	v11 =	vand.u32 $0xF, v14;
	v12 =	vand.u32 $0xF, v13  }
.LBB2_1:
0x1b: {  	s12 =	simm.s32 $0x0  }
.LBB2_2:
0x1c: {  	s11 =	sadd.s32 s5, s12  }
0x1d: {  	s13 =	sshll.u32 s12, $0x7;
	s11 =	sshrl.u32 s11, $0x3  }
0x1e: {  	s13 =	sand.u32 $0x380, s13;
	s14 =	sshll.u32 s11, $0xD  }
0x1f: {  	s14 =	sor.u32 s13, s14  }
0x20: {  	s14 =	sshrl.u32 s14, $0x3  }
0x21: {  	s15 =	sadd.s32 s2, s14;
	s14 =	simm.s32 $0x0  }
0x22: {  	[tilespmem:s14], [sflag:$0x1] =	stream.strided.gather [hbm4b:s15+s7], $0x400, s8, s7, $0x38;
	[tilespmem:$0x480] =	vst v63  }
0x23: {  	_ =	swait.ge [sflag:s9], $0x400  }
0x24: {  	[sflag:s9] =	ssyncset.done $0x0  }
0x25: {  	v13 =	vimm.f32 $1.024000000e+03;
	s15 =	simm.s32 $0x0;
	[sflag:s9] =	ssyncadd.s32 $0xFFFFFC00  }
.LBB2_3:
0x26: {  	s16 =	scvt.s32.f32 s14;
	_ =	sdelay $0x1  }
0x27: {  	v14 =	vmov s16  }
0x28: {  	v14 =	vbroadcast v14, $0x0  }
0x29: {  	v15 =	vperm.xlane v13, v1  }
0x2a: {  	v22 =	vperm.xlane v13, v6;
	v23 =	vperm.xlane v13, v8;
	v14 =	vadd.f32 v7, v14  }
0x2b: {  	v16 =	vperm.xlane v13, v2;
	v20 =	vperm.xlane v13, v5;
	s30 =	simm.s32 $0x10  }
0x2c: {  	v19 =	vperm.xlane v13, v4;
	s16 =	scvt.s32.f32 s30;
	vm0 =	veq.f32 v14, v22;
	vm1 =	veq.f32 v14, v23  }
0x2d: {  	v17 =	vperm.xlane v13, v3;
	vm2 =	veq.f32 v14, v20;
	vm0 =	vmor vm1, vm0  }
0x2e: {  	v18 =	vmov s16;
	vm1 =	veq.f32 v14, v19;
	vm0 =	vmor vm0, vm2  }
0x2f: {  	v25 =	vld [tilespmem:s14+$0x0];
	v21 =	vbroadcast v18, $0x0;
	vm2 =	veq.f32 v14, v17;
	vm0 =	vmor vm0, vm1  }
0x30: {  	v18 =	vperm.xlane v13, v0;
	vm1 =	veq.f32 v14, v16;
	vm0 =	vmor vm0, vm2  }
0x31: {  	v21 =	vadd.f32 v7, v21;
	vm2 =	veq.f32 v14, v15;
	vm0 =	vmor vm0, vm1  }
0x32: {  	vm1 =	veq.f32 v14, v18;
	vm0 =	vmor vm0, vm2  }
0x33: {  	v24 =	vimm.f32 $-8.000000000e+00;
	vm3 =	veq.f32 v21, v23;
	vm0 =	vmor vm0, vm1  }
0x34: {  	s31 =	simm.s32 $0x20;
	vm2 =	veq.f32 v21, v22;
	vm1 =	veq.f32 v21, v20;
	v26 =	vsel vm0, $0xC0800000, v25  }
0x35: {  	s17 =	simm.s32 $0x30;
	s18 =	scvt.s32.f32 s31;
	s16 =	simm.s32 $0x0;
	vm2 =	vmor vm3, vm2;
	v25 =	vimm.f32 $1.024000000e+03;
	vm0 =	vgt.f32 v26, v24  }
.LBB2_4:
0x36: {  	p0 =	sne.s32 s17, $0x3F0;
	vm3 =	veq.f32 v21, v19;
	vm1 =	vmor vm2, vm1;
	v24 =	vsel vm0, v26, v24;
	s16 =	sadd.s32 $0x10, s16  }
0x37: {  	vm2 =	veq.f32 v21, v17;
	v26 =	vmov s18;
	v27 =	vld [tilespmem:s16+$0x0];
	vm1 =	vmor vm1, vm3  }
0x38: {  	vm3 =	veq.f32 v21, v16;
	v26 =	vbroadcast v26, $0x0;
	vm1 =	vmor vm1, vm2  }
.Ltmp0:
0x39: {  	v25 =	vsel vm0, v14, v25;
	v14 =	vmovc v21;
	vm2 =	veq.f32 v21, v15;
	vm1 =	vmor vm1, vm3;
	(pc) =	sbr.rel @p0 .LBB2_4-.Ltmp0, $4  }
0x3a: {  	vm0 =	veq.f32 v14, v18;
	v21 =	vadd.f32 v7, v26;
	vm1 =	vmor vm1, vm2  }
0x3b: {  	vm0 =	vmor vm1, vm0  }
0x3c: {  	vm2 =	veq.f32 v21, v22;
	vm3 =	veq.f32 v21, v23;
	v26 =	vsel vm0, $0xC0800000, v27  }
0x3d: {  	s18 =	scvt.s32.f32 s17;
	s17 =	sadd.s32 $0x10, s17;
	vm1 =	veq.f32 v21, v20;
	vm2 =	vmor vm3, vm2;
	vm0 =	vgt.f32 v26, v24  }
0x3e: {  	_ = 	snop  }
0x3f: {  	v27 =	vmov s18  }
0x40: {  	v27 =	vbroadcast v27, $0x0  }
0x41: {  	vm3 =	veq.f32 v21, v19  }
0x42: {  	vm1 =	vmor vm2, vm1;
	vm10 =	veq.f32 v21, v17;
	v27 =	vadd.f32 v7, v27  }
0x43: {  	vm11 =	veq.f32 v21, v16;
	vm4 =	veq.f32 v21, v15;
	vm8 =	veq.f32 v21, v18  }
0x44: {  	s16 =	sadd.s32 $0x10, s16;
	v61 =	vsel vm0, v26, v24;
	vm12 =	veq.f32 v27, v22;
	vm13 =	veq.f32 v27, v23  }
0x45: {  	vm1 =	vmor vm1, vm3;
	v59 =	vld [tilespmem:s16+$0x0];
	vm14 =	veq.f32 v27, v20;
	vm2 =	vmor vm13, vm12  }
0x46: {  	s16 =	sadd.s32 $0x10, s16;
	vm1 =	vmor vm1, vm10;
	vm15 =	veq.f32 v27, v19;
	vm2 =	vmor vm2, vm14  }
0x47: {  	v60 =	vld [tilespmem:s16+$0x0];
	vm1 =	vmor vm1, vm11;
	vm9 =	veq.f32 v27, v17;
	vm2 =	vmor vm2, vm15  }
0x48: {  	vm1 =	vmor vm1, vm4;
	vm10 =	veq.f32 v27, v16;
	vm2 =	vmor vm2, vm9  }
0x49: {  	vm1 =	vmor vm1, vm8;
	vm11 =	veq.f32 v27, v15;
	vm2 =	vmor vm2, vm10  }
0x4a: {  	v15 =	vsel vm1, $0xC0800000, v59;
	vm12 =	veq.f32 v27, v18;
	vm2 =	vmor vm2, vm11  }
0x4b: {  	vm13 =	vgt.f32 v15, v61;
	vm1 =	vmor vm2, vm12  }
0x4c: {  	v14 =	vsel vm0, v14, v25;
	v15 =	vsel vm13, v15, v61;
	v62 =	vsel vm1, $0xC0800000, v60  }
0x4d: {  	v14 =	vsel vm13, v21, v14;
	vm14 =	vgt.f32 v62, v15  }
0x4e: {  	v15 =	vsel vm14, v62, v15;
	v14 =	vsel vm14, v27, v14  }
0x4f: {  	v16 =	vperm.xlane v15, v9;
	v63 =	vperm.xlane v14, v9;
	_ =	sdelay $0x1  }
0x50: {  	vm15 =	veq.f32 v16, v15;
	vm4 =	vlt.f32 v63, v14  }
0x51: {  	vm5 =	vgt.f32 v16, v15;
	vm0 =	vmand vm15, vm4  }
0x52: {  	vm0 =	vmor vm5, vm0  }
0x53: {  	v15 =	vsel vm0, v16, v15;
	v14 =	vsel vm0, v63, v14  }
0x54: {  	v16 =	vperm.xlane v15, v10;
	v17 =	vperm.xlane v14, v10;
	_ =	sdelay $0x1  }
0x55: {  	vm6 =	veq.f32 v16, v15;
	vm7 =	vlt.f32 v17, v14  }
0x56: {  	vm8 =	vgt.f32 v16, v15;
	vm0 =	vmand vm6, vm7  }
0x57: {  	vm0 =	vmor vm8, vm0  }
0x58: {  	v15 =	vsel vm0, v16, v15;
	v14 =	vsel vm0, v17, v14  }
0x59: {  	v16 =	vperm.xlane v15, v11;
	v17 =	vperm.xlane v14, v11;
	_ =	sdelay $0x1  }
0x5a: {  	vm9 =	veq.f32 v16, v15;
	vm10 =	vlt.f32 v17, v14  }
0x5b: {  	vm11 =	vgt.f32 v16, v15;
	vm0 =	vmand vm9, vm10  }
0x5c: {  	vm0 =	vmor vm11, vm0  }
0x5d: {  	v15 =	vsel vm0, v16, v15;
	v14 =	vsel vm0, v17, v14  }
0x5e: {  	s31 =	scvt.s32.f32 s15;
	s15 =	sadd.s32 $0x1, s15;
	v16 =	vperm.xlane v15, v12;
	v17 =	vperm.xlane v14, v12  }
0x5f: {  	p0 =	sne.s32 s15, $0x8  }
.Ltmp1:
0x60: {  	vm12 =	veq.f32 v16, v15;
	vm13 =	vlt.f32 v17, v14;
	(pc) =	sbr.rel @p0 .LBB2_3-.Ltmp1, $4  }
0x61: {  	vm14 =	vgt.f32 v16, v15;
	vm0 =	vmand vm12, vm13  }
0x62: {  	v15 =	vmov s31;
	vm0 =	vmor vm14, vm0  }
0x63: {  	vm15 =	veq.f32 v15, v7;
	v14 =	vsel vm0, v17, v14  }
0x64: {  	v13 =	vsel vm15, v14, v13  }
0x65: {  	v13 =	vtrunc.f32 v13;
	s11 =	sshll.u32 s11, $0xA  }
0x66: {  	s12 =	sadd.s32 $0x1, s12;
	v13 =	vcvt.f32.s32 v13;
	s11 =	sor.u32 s13, s11  }
0x67: {  	p0 =	sne.s32 s12, $0x20;
	s11 =	sshrl.u32 s11, $0x3  }
.Ltmp2:
0x68: {  	[tilespmem:$0x400] =	vst v13;
	s31 =	sadd.s32 s4, s11;
	s11 =	simm.s32 $0x0;
	(pc) =	sbr.rel @p0 .LBB2_2-.Ltmp2, $4  }
0x69: {  	[hbm4b:s31+s11] =	stream.linear.scatter [tilespmem:s8], [sflag:$0x1], $0x80, $0x38;
	[tilespmem:$0x480] =	vst v63  }
0x6a: {  	_ =	swait.ge [sflag:s9], $0x80  }
0x6b: {  	[sflag:s9] =	ssyncset.done $0x0  }
0x6c: {  	[sflag:s9] =	ssyncadd.s32 $0xFFFFFF80  }
0x6d: {  	s13 =	simm.s32 $0x0  }
.LBB2_8:
0x6e: {  	s12 =	sadd.s32 s5, s13  }
0x6f: {  	s14 =	sshll.u32 s13, $0x7;
	s12 =	sshrl.u32 s12, $0x3  }
0x70: {  	s14 =	sand.u32 $0x380, s14;
	s15 =	sshll.u32 s12, $0xD  }
0x71: {  	s15 =	sor.u32 s14, s15  }
0x72: {  	s15 =	sadd.s32 $0x100000, s15  }
0x73: {  	s15 =	sshrl.u32 s15, $0x3  }
0x74: {  	s15 =	sadd.s32 s2, s15  }
0x75: {  	[tilespmem:s11], [sflag:$0x1] =	stream.strided.gather [hbm4b:s15+s7], $0x400, s8, s7, $0x38;
	[tilespmem:$0x480] =	vst v63  }
0x76: {  	_ =	swait.ge [sflag:s9], $0x400  }
0x77: {  	[sflag:s9] =	ssyncset.done $0x0  }
0x78: {  	v13 =	vimm.f32 $1.024000000e+03;
	s15 =	simm.s32 $0x0;
	[sflag:s9] =	ssyncadd.s32 $0xFFFFFC00  }
.LBB2_9:
0x79: {  	s16 =	simm.s32 $0x0  }
0x7a: {  	s17 =	scvt.s32.f32 s16;
	_ =	sdelay $0x1  }
0x7b: {  	v14 =	vmov s17  }
0x7c: {  	v14 =	vbroadcast v14, $0x0  }
0x7d: {  	v15 =	vperm.xlane v13, v1  }
0x7e: {  	v22 =	vperm.xlane v13, v6;
	v23 =	vperm.xlane v13, v8;
	v14 =	vadd.f32 v7, v14  }
0x7f: {  	v16 =	vperm.xlane v13, v2;
	v20 =	vperm.xlane v13, v5;
	s30 =	simm.s32 $0x10  }
0x80: {  	v19 =	vperm.xlane v13, v4;
	s17 =	scvt.s32.f32 s30;
	vm0 =	veq.f32 v14, v22;
	vm1 =	veq.f32 v14, v23  }
0x81: {  	v17 =	vperm.xlane v13, v3;
	vm2 =	veq.f32 v14, v20;
	vm0 =	vmor vm1, vm0  }
0x82: {  	v18 =	vmov s17;
	vm1 =	veq.f32 v14, v19;
	vm0 =	vmor vm0, vm2  }
0x83: {  	v25 =	vld [tilespmem:s16+$0x0];
	v21 =	vbroadcast v18, $0x0;
	vm2 =	veq.f32 v14, v17;
	vm0 =	vmor vm0, vm1  }
0x84: {  	v18 =	vperm.xlane v13, v0;
	vm1 =	veq.f32 v14, v16;
	vm0 =	vmor vm0, vm2  }
0x85: {  	v21 =	vadd.f32 v7, v21;
	vm2 =	veq.f32 v14, v15;
	vm0 =	vmor vm0, vm1  }
0x86: {  	vm1 =	veq.f32 v14, v18;
	vm0 =	vmor vm0, vm2  }
0x87: {  	v24 =	vimm.f32 $-8.000000000e+00;
	vm3 =	veq.f32 v21, v23;
	vm0 =	vmor vm0, vm1  }
0x88: {  	s31 =	simm.s32 $0x20;
	vm2 =	veq.f32 v21, v22;
	vm1 =	veq.f32 v21, v20;
	v26 =	vsel vm0, $0xC0800000, v25  }
0x89: {  	s18 =	scvt.s32.f32 s31;
	s17 =	simm.s32 $0x30;
	vm2 =	vmor vm3, vm2;
	v25 =	vimm.f32 $1.024000000e+03;
	vm0 =	vgt.f32 v26, v24  }
.LBB2_10:
0x8a: {  	p0 =	sne.s32 s17, $0x3F0;
	vm3 =	veq.f32 v21, v19;
	vm1 =	vmor vm2, vm1;
	v24 =	vsel vm0, v26, v24;
	s16 =	sadd.s32 $0x10, s16  }
0x8b: {  	vm2 =	veq.f32 v21, v17;
	v26 =	vmov s18;
	v27 =	vld [tilespmem:s16+$0x0];
	vm1 =	vmor vm1, vm3  }
0x8c: {  	vm3 =	veq.f32 v21, v16;
	v26 =	vbroadcast v26, $0x0;
	vm1 =	vmor vm1, vm2  }
.Ltmp3:
0x8d: {  	v25 =	vsel vm0, v14, v25;
	v14 =	vmovc v21;
	vm2 =	veq.f32 v21, v15;
	vm1 =	vmor vm1, vm3;
	(pc) =	sbr.rel @p0 .LBB2_10-.Ltmp3, $4  }
0x8e: {  	vm0 =	veq.f32 v14, v18;
	v21 =	vadd.f32 v7, v26;
	vm1 =	vmor vm1, vm2  }
0x8f: {  	vm0 =	vmor vm1, vm0  }
0x90: {  	vm2 =	veq.f32 v21, v22;
	vm3 =	veq.f32 v21, v23;
	v26 =	vsel vm0, $0xC0800000, v27  }
0x91: {  	s18 =	scvt.s32.f32 s17;
	s17 =	sadd.s32 $0x10, s17;
	vm1 =	veq.f32 v21, v20;
	vm2 =	vmor vm3, vm2;
	vm0 =	vgt.f32 v26, v24  }
0x92: {  	_ = 	snop  }
0x93: {  	v27 =	vmov s18  }
0x94: {  	v27 =	vbroadcast v27, $0x0  }
0x95: {  	vm3 =	veq.f32 v21, v19  }
0x96: {  	vm1 =	vmor vm2, vm1;
	vm10 =	veq.f32 v21, v17;
	v27 =	vadd.f32 v7, v27  }
0x97: {  	vm11 =	veq.f32 v21, v16;
	vm4 =	veq.f32 v21, v15;
	vm8 =	veq.f32 v21, v18  }
0x98: {  	s16 =	sadd.s32 $0x10, s16;
	v61 =	vsel vm0, v26, v24;
	vm12 =	veq.f32 v27, v22;
	vm13 =	veq.f32 v27, v23  }
0x99: {  	vm1 =	vmor vm1, vm3;
	v59 =	vld [tilespmem:s16+$0x0];
	vm14 =	veq.f32 v27, v20;
	vm2 =	vmor vm13, vm12  }
0x9a: {  	s16 =	sadd.s32 $0x10, s16;
	vm1 =	vmor vm1, vm10;
	vm15 =	veq.f32 v27, v19;
	vm2 =	vmor vm2, vm14  }
0x9b: {  	v60 =	vld [tilespmem:s16+$0x0];
	vm1 =	vmor vm1, vm11;
	vm9 =	veq.f32 v27, v17;
	vm2 =	vmor vm2, vm15  }
0x9c: {  	vm1 =	vmor vm1, vm4;
	vm10 =	veq.f32 v27, v16;
	vm2 =	vmor vm2, vm9  }
0x9d: {  	vm1 =	vmor vm1, vm8;
	vm11 =	veq.f32 v27, v15;
	vm2 =	vmor vm2, vm10  }
0x9e: {  	v15 =	vsel vm1, $0xC0800000, v59;
	vm12 =	veq.f32 v27, v18;
	vm2 =	vmor vm2, vm11  }
0x9f: {  	vm13 =	vgt.f32 v15, v61;
	vm1 =	vmor vm2, vm12  }
0xa0: {  	v14 =	vsel vm0, v14, v25;
	v15 =	vsel vm13, v15, v61;
	v62 =	vsel vm1, $0xC0800000, v60  }
0xa1: {  	v14 =	vsel vm13, v21, v14;
	vm14 =	vgt.f32 v62, v15  }
0xa2: {  	v15 =	vsel vm14, v62, v15;
	v14 =	vsel vm14, v27, v14  }
0xa3: {  	v16 =	vperm.xlane v15, v9;
	v63 =	vperm.xlane v14, v9;
	_ =	sdelay $0x1  }
0xa4: {  	vm15 =	veq.f32 v16, v15;
	vm4 =	vlt.f32 v63, v14  }
0xa5: {  	vm5 =	vgt.f32 v16, v15;
	vm0 =	vmand vm15, vm4  }
0xa6: {  	vm0 =	vmor vm5, vm0  }
0xa7: {  	v15 =	vsel vm0, v16, v15;
	v14 =	vsel vm0, v63, v14  }
0xa8: {  	v16 =	vperm.xlane v15, v10;
	v17 =	vperm.xlane v14, v10;
	_ =	sdelay $0x1  }
0xa9: {  	vm6 =	veq.f32 v16, v15;
	vm7 =	vlt.f32 v17, v14  }
0xaa: {  	vm8 =	vgt.f32 v16, v15;
	vm0 =	vmand vm6, vm7  }
0xab: {  	vm0 =	vmor vm8, vm0  }
0xac: {  	v15 =	vsel vm0, v16, v15;
	v14 =	vsel vm0, v17, v14  }
0xad: {  	v16 =	vperm.xlane v15, v11;
	v17 =	vperm.xlane v14, v11;
	_ =	sdelay $0x1  }
0xae: {  	vm9 =	veq.f32 v16, v15;
	vm10 =	vlt.f32 v17, v14  }
0xaf: {  	vm11 =	vgt.f32 v16, v15;
	vm0 =	vmand vm9, vm10  }
0xb0: {  	vm0 =	vmor vm11, vm0  }
0xb1: {  	v15 =	vsel vm0, v16, v15;
	v14 =	vsel vm0, v17, v14  }
0xb2: {  	s31 =	scvt.s32.f32 s15;
	s15 =	sadd.s32 $0x1, s15;
	v16 =	vperm.xlane v15, v12;
	v17 =	vperm.xlane v14, v12  }
0xb3: {  	p0 =	sne.s32 s15, $0x8  }
.Ltmp4:
0xb4: {  	vm12 =	veq.f32 v16, v15;
	vm13 =	vlt.f32 v17, v14;
	(pc) =	sbr.rel @p0 .LBB2_9-.Ltmp4, $4  }
0xb5: {  	vm14 =	vgt.f32 v16, v15;
	vm0 =	vmand vm12, vm13  }
0xb6: {  	v15 =	vmov s31;
	vm0 =	vmor vm14, vm0  }
0xb7: {  	vm15 =	veq.f32 v15, v7;
	v14 =	vsel vm0, v17, v14  }
0xb8: {  	v13 =	vsel vm15, v14, v13  }
0xb9: {  	s12 =	sshll.u32 s12, $0xA  }
0xba: {  	v13 =	vtrunc.f32 v13;
	s12 =	sor.u32 s14, s12  }
0xbb: {  	s13 =	sadd.s32 $0x1, s13;
	v13 =	vcvt.f32.s32 v13;
	s12 =	sadd.s32 $0x20000, s12  }
0xbc: {  	p0 =	sne.s32 s13, $0x20;
	s12 =	sshrl.u32 s12, $0x3  }
.Ltmp5:
0xbd: {  	[tilespmem:$0x400] =	vst v13;
	s31 =	sadd.s32 s4, s12;
	s12 =	simm.s32 $0x0;
	(pc) =	sbr.rel @p0 .LBB2_8-.Ltmp5, $4  }
0xbe: {  	[hbm4b:s31+s12] =	stream.linear.scatter [tilespmem:s8], [sflag:$0x1], $0x80, $0x38;
	[tilespmem:$0x480] =	vst v63  }
0xbf: {  	_ =	swait.ge [sflag:s9], $0x80  }
0xc0: {  	[sflag:s9] =	ssyncset.done $0x0  }
0xc1: {  	[sflag:s9] =	ssyncadd.s32 $0xFFFFFF80  }
0xc2: {  	s13 =	simm.s32 $0x0  }
.LBB2_14:
0xc3: {  	s11 =	sadd.s32 s5, s13  }
0xc4: {  	s14 =	sshll.u32 s13, $0x7;
	s11 =	sshrl.u32 s11, $0x3  }
0xc5: {  	s14 =	sand.u32 $0x380, s14;
	s15 =	sshll.u32 s11, $0xD  }
0xc6: {  	s15 =	sor.u32 s14, s15  }
0xc7: {  	s15 =	sadd.s32 $0x200000, s15  }
0xc8: {  	s15 =	sshrl.u32 s15, $0x3  }
0xc9: {  	s15 =	sadd.s32 s2, s15  }
0xca: {  	[tilespmem:s12], [sflag:$0x1] =	stream.strided.gather [hbm4b:s15+s7], $0x400, s8, s7, $0x38;
	[tilespmem:$0x480] =	vst v63  }
0xcb: {  	_ =	swait.ge [sflag:s9], $0x400  }
0xcc: {  	[sflag:s9] =	ssyncset.done $0x0  }
0xcd: {  	v13 =	vimm.f32 $1.024000000e+03;
	s15 =	simm.s32 $0x0;
	[sflag:s9] =	ssyncadd.s32 $0xFFFFFC00  }
.LBB2_15:
0xce: {  	s16 =	simm.s32 $0x0  }
0xcf: {  	s17 =	scvt.s32.f32 s16;
	_ =	sdelay $0x1  }
0xd0: {  	v14 =	vmov s17  }
0xd1: {  	v14 =	vbroadcast v14, $0x0  }
0xd2: {  	v15 =	vperm.xlane v13, v1  }
0xd3: {  	v22 =	vperm.xlane v13, v6;
	v23 =	vperm.xlane v13, v8;
	v14 =	vadd.f32 v7, v14  }
0xd4: {  	v16 =	vperm.xlane v13, v2;
	v20 =	vperm.xlane v13, v5;
	s30 =	simm.s32 $0x10  }
0xd5: {  	v19 =	vperm.xlane v13, v4;
	s17 =	scvt.s32.f32 s30;
	vm0 =	veq.f32 v14, v22;
	vm1 =	veq.f32 v14, v23  }
0xd6: {  	v17 =	vperm.xlane v13, v3;
	vm2 =	veq.f32 v14, v20;
	vm0 =	vmor vm1, vm0  }
0xd7: {  	v18 =	vmov s17;
	vm1 =	veq.f32 v14, v19;
	vm0 =	vmor vm0, vm2  }
0xd8: {  	v25 =	vld [tilespmem:s16+$0x0];
	v21 =	vbroadcast v18, $0x0;
	vm2 =	veq.f32 v14, v17;
	vm0 =	vmor vm0, vm1  }
0xd9: {  	v18 =	vperm.xlane v13, v0;
	vm1 =	veq.f32 v14, v16;
	vm0 =	vmor vm0, vm2  }
0xda: {  	v21 =	vadd.f32 v7, v21;
	vm2 =	veq.f32 v14, v15;
	vm0 =	vmor vm0, vm1  }
0xdb: {  	vm1 =	veq.f32 v14, v18;
	vm0 =	vmor vm0, vm2  }
0xdc: {  	v24 =	vimm.f32 $-8.000000000e+00;
	vm3 =	veq.f32 v21, v23;
	vm0 =	vmor vm0, vm1  }
0xdd: {  	s31 =	simm.s32 $0x20;
	vm2 =	veq.f32 v21, v22;
	vm1 =	veq.f32 v21, v20;
	v26 =	vsel vm0, $0xC0800000, v25  }
0xde: {  	s18 =	scvt.s32.f32 s31;
	s17 =	simm.s32 $0x30;
	vm2 =	vmor vm3, vm2;
	v25 =	vimm.f32 $1.024000000e+03;
	vm0 =	vgt.f32 v26, v24  }
.LBB2_16:
0xdf: {  	p0 =	sne.s32 s17, $0x3F0;
	vm3 =	veq.f32 v21, v19;
	vm1 =	vmor vm2, vm1;
	v24 =	vsel vm0, v26, v24;
	s16 =	sadd.s32 $0x10, s16  }
0xe0: {  	vm2 =	veq.f32 v21, v17;
	v26 =	vmov s18;
	v27 =	vld [tilespmem:s16+$0x0];
	vm1 =	vmor vm1, vm3  }
0xe1: {  	vm3 =	veq.f32 v21, v16;
	v26 =	vbroadcast v26, $0x0;
	vm1 =	vmor vm1, vm2  }
.Ltmp6:
0xe2: {  	v25 =	vsel vm0, v14, v25;
	v14 =	vmovc v21;
	vm2 =	veq.f32 v21, v15;
	vm1 =	vmor vm1, vm3;
	(pc) =	sbr.rel @p0 .LBB2_16-.Ltmp6, $4  }
0xe3: {  	vm0 =	veq.f32 v14, v18;
	v21 =	vadd.f32 v7, v26;
	vm1 =	vmor vm1, vm2  }
0xe4: {  	vm0 =	vmor vm1, vm0  }
0xe5: {  	vm2 =	veq.f32 v21, v22;
	vm3 =	veq.f32 v21, v23;
	v26 =	vsel vm0, $0xC0800000, v27  }
0xe6: {  	s18 =	scvt.s32.f32 s17;
	s17 =	sadd.s32 $0x10, s17;
	vm1 =	veq.f32 v21, v20;
	vm2 =	vmor vm3, vm2;
	vm0 =	vgt.f32 v26, v24  }
0xe7: {  	_ = 	snop  }
0xe8: {  	v27 =	vmov s18  }
0xe9: {  	v27 =	vbroadcast v27, $0x0  }
0xea: {  	vm3 =	veq.f32 v21, v19  }
0xeb: {  	vm1 =	vmor vm2, vm1;
	vm10 =	veq.f32 v21, v17;
	v27 =	vadd.f32 v7, v27  }
0xec: {  	vm11 =	veq.f32 v21, v16;
	vm4 =	veq.f32 v21, v15;
	vm8 =	veq.f32 v21, v18  }
0xed: {  	s16 =	sadd.s32 $0x10, s16;
	v61 =	vsel vm0, v26, v24;
	vm12 =	veq.f32 v27, v22;
	vm13 =	veq.f32 v27, v23  }
0xee: {  	vm1 =	vmor vm1, vm3;
	v59 =	vld [tilespmem:s16+$0x0];
	vm14 =	veq.f32 v27, v20;
	vm2 =	vmor vm13, vm12  }
0xef: {  	s16 =	sadd.s32 $0x10, s16;
	vm1 =	vmor vm1, vm10;
	vm15 =	veq.f32 v27, v19;
	vm2 =	vmor vm2, vm14  }
0xf0: {  	v60 =	vld [tilespmem:s16+$0x0];
	vm1 =	vmor vm1, vm11;
	vm9 =	veq.f32 v27, v17;
	vm2 =	vmor vm2, vm15  }
0xf1: {  	vm1 =	vmor vm1, vm4;
	vm10 =	veq.f32 v27, v16;
	vm2 =	vmor vm2, vm9  }
0xf2: {  	vm1 =	vmor vm1, vm8;
	vm11 =	veq.f32 v27, v15;
	vm2 =	vmor vm2, vm10  }
0xf3: {  	v15 =	vsel vm1, $0xC0800000, v59;
	vm12 =	veq.f32 v27, v18;
	vm2 =	vmor vm2, vm11  }
0xf4: {  	vm13 =	vgt.f32 v15, v61;
	vm1 =	vmor vm2, vm12  }
0xf5: {  	v14 =	vsel vm0, v14, v25;
	v15 =	vsel vm13, v15, v61;
	v62 =	vsel vm1, $0xC0800000, v60  }
0xf6: {  	v14 =	vsel vm13, v21, v14;
	vm14 =	vgt.f32 v62, v15  }
0xf7: {  	v15 =	vsel vm14, v62, v15;
	v14 =	vsel vm14, v27, v14  }
0xf8: {  	v16 =	vperm.xlane v15, v9;
	v63 =	vperm.xlane v14, v9;
	_ =	sdelay $0x1  }
0xf9: {  	vm15 =	veq.f32 v16, v15;
	vm4 =	vlt.f32 v63, v14  }
0xfa: {  	vm5 =	vgt.f32 v16, v15;
	vm0 =	vmand vm15, vm4  }
0xfb: {  	vm0 =	vmor vm5, vm0  }
0xfc: {  	v15 =	vsel vm0, v16, v15;
	v14 =	vsel vm0, v63, v14  }
0xfd: {  	v16 =	vperm.xlane v15, v10;
	v17 =	vperm.xlane v14, v10;
	_ =	sdelay $0x1  }
0xfe: {  	vm6 =	veq.f32 v16, v15;
	vm7 =	vlt.f32 v17, v14  }
0xff: {  	vm8 =	vgt.f32 v16, v15;
	vm0 =	vmand vm6, vm7  }
0x100: {  	vm0 =	vmor vm8, vm0  }
0x101: {  	v15 =	vsel vm0, v16, v15;
	v14 =	vsel vm0, v17, v14  }
0x102: {  	v16 =	vperm.xlane v15, v11;
	v17 =	vperm.xlane v14, v11;
	_ =	sdelay $0x1  }
0x103: {  	vm9 =	veq.f32 v16, v15;
	vm10 =	vlt.f32 v17, v14  }
0x104: {  	vm11 =	vgt.f32 v16, v15;
	vm0 =	vmand vm9, vm10  }
0x105: {  	vm0 =	vmor vm11, vm0  }
0x106: {  	v15 =	vsel vm0, v16, v15;
	v14 =	vsel vm0, v17, v14  }
0x107: {  	s31 =	scvt.s32.f32 s15;
	s15 =	sadd.s32 $0x1, s15;
	v16 =	vperm.xlane v15, v12;
	v17 =	vperm.xlane v14, v12  }
0x108: {  	p0 =	sne.s32 s15, $0x8  }
.Ltmp7:
0x109: {  	vm12 =	veq.f32 v16, v15;
	vm13 =	vlt.f32 v17, v14;
	(pc) =	sbr.rel @p0 .LBB2_15-.Ltmp7, $4  }
0x10a: {  	vm14 =	vgt.f32 v16, v15;
	vm0 =	vmand vm12, vm13  }
0x10b: {  	v15 =	vmov s31;
	vm0 =	vmor vm14, vm0  }
0x10c: {  	vm15 =	veq.f32 v15, v7;
	v14 =	vsel vm0, v17, v14  }
0x10d: {  	v13 =	vsel vm15, v14, v13  }
0x10e: {  	s11 =	sshll.u32 s11, $0xA  }
0x10f: {  	v13 =	vtrunc.f32 v13;
	s11 =	sor.u32 s14, s11  }
0x110: {  	s13 =	sadd.s32 $0x1, s13;
	v13 =	vcvt.f32.s32 v13;
	s11 =	sadd.s32 $0x40000, s11  }
0x111: {  	p0 =	sne.s32 s13, $0x20;
	s11 =	sshrl.u32 s11, $0x3  }
.Ltmp8:
0x112: {  	[tilespmem:$0x400] =	vst v13;
	s31 =	sadd.s32 s4, s11;
	s11 =	simm.s32 $0x0;
	(pc) =	sbr.rel @p0 .LBB2_14-.Ltmp8, $4  }
0x113: {  	[hbm4b:s31+s11] =	stream.linear.scatter [tilespmem:s8], [sflag:$0x1], $0x80, $0x38;
	[tilespmem:$0x480] =	vst v63  }
0x114: {  	_ =	swait.ge [sflag:s9], $0x80  }
0x115: {  	[sflag:s9] =	ssyncset.done $0x0  }
0x116: {  	[sflag:s9] =	ssyncadd.s32 $0xFFFFFF80  }
0x117: {  	s12 =	simm.s32 $0x0  }
.LBB2_20:
0x118: {  	s13 =	sadd.s32 s5, s12  }
0x119: {  	s14 =	sshll.u32 s12, $0x7;
	s13 =	sshrl.u32 s13, $0x3  }
0x11a: {  	s14 =	sand.u32 $0x380, s14;
	s15 =	sshll.u32 s13, $0xD  }
0x11b: {  	s15 =	sor.u32 s14, s15  }
0x11c: {  	s15 =	sadd.s32 $0x300000, s15  }
0x11d: {  	s15 =	sshrl.u32 s15, $0x3  }
0x11e: {  	s15 =	sadd.s32 s2, s15  }
0x11f: {  	[tilespmem:s11], [sflag:$0x1] =	stream.strided.gather [hbm4b:s15+s7], $0x400, s8, s7, $0x38;
	[tilespmem:$0x480] =	vst v63  }
0x120: {  	_ =	swait.ge [sflag:s9], $0x400  }
0x121: {  	[sflag:s9] =	ssyncset.done $0x0  }
0x122: {  	v13 =	vimm.f32 $1.024000000e+03;
	s15 =	simm.s32 $0x0;
	[sflag:s9] =	ssyncadd.s32 $0xFFFFFC00  }
.LBB2_21:
0x123: {  	s16 =	simm.s32 $0x0  }
0x124: {  	s17 =	scvt.s32.f32 s16;
	_ =	sdelay $0x1  }
0x125: {  	v14 =	vmov s17  }
0x126: {  	v14 =	vbroadcast v14, $0x0  }
0x127: {  	v15 =	vperm.xlane v13, v1  }
0x128: {  	v22 =	vperm.xlane v13, v6;
	v23 =	vperm.xlane v13, v8;
	v14 =	vadd.f32 v7, v14  }
0x129: {  	v16 =	vperm.xlane v13, v2;
	v20 =	vperm.xlane v13, v5;
	s30 =	simm.s32 $0x10  }
0x12a: {  	v19 =	vperm.xlane v13, v4;
	s17 =	scvt.s32.f32 s30;
	vm0 =	veq.f32 v14, v22;
	vm1 =	veq.f32 v14, v23  }
0x12b: {  	v17 =	vperm.xlane v13, v3;
	vm2 =	veq.f32 v14, v20;
	vm0 =	vmor vm1, vm0  }
0x12c: {  	v18 =	vmov s17;
	vm1 =	veq.f32 v14, v19;
	vm0 =	vmor vm0, vm2  }
0x12d: {  	v25 =	vld [tilespmem:s16+$0x0];
	v21 =	vbroadcast v18, $0x0;
	vm2 =	veq.f32 v14, v17;
	vm0 =	vmor vm0, vm1  }
0x12e: {  	v18 =	vperm.xlane v13, v0;
	vm1 =	veq.f32 v14, v16;
	vm0 =	vmor vm0, vm2  }
0x12f: {  	v21 =	vadd.f32 v7, v21;
	vm2 =	veq.f32 v14, v15;
	vm0 =	vmor vm0, vm1  }
0x130: {  	vm1 =	veq.f32 v14, v18;
	vm0 =	vmor vm0, vm2  }
0x131: {  	v24 =	vimm.f32 $-8.000000000e+00;
	vm3 =	veq.f32 v21, v23;
	vm0 =	vmor vm0, vm1  }
0x132: {  	s31 =	simm.s32 $0x20;
	vm2 =	veq.f32 v21, v22;
	vm1 =	veq.f32 v21, v20;
	v26 =	vsel vm0, $0xC0800000, v25  }
0x133: {  	s18 =	scvt.s32.f32 s31;
	s17 =	simm.s32 $0x30;
	vm2 =	vmor vm3, vm2;
	v25 =	vimm.f32 $1.024000000e+03;
	vm0 =	vgt.f32 v26, v24  }
.LBB2_22:
0x134: {  	p0 =	sne.s32 s17, $0x3F0;
	vm3 =	veq.f32 v21, v19;
	vm1 =	vmor vm2, vm1;
	v24 =	vsel vm0, v26, v24;
	s16 =	sadd.s32 $0x10, s16  }
0x135: {  	vm2 =	veq.f32 v21, v17;
	v26 =	vmov s18;
	v27 =	vld [tilespmem:s16+$0x0];
	vm1 =	vmor vm1, vm3  }
0x136: {  	vm3 =	veq.f32 v21, v16;
	v26 =	vbroadcast v26, $0x0;
	vm1 =	vmor vm1, vm2  }
.Ltmp9:
0x137: {  	v25 =	vsel vm0, v14, v25;
	v14 =	vmovc v21;
	vm2 =	veq.f32 v21, v15;
	vm1 =	vmor vm1, vm3;
	(pc) =	sbr.rel @p0 .LBB2_22-.Ltmp9, $4  }
0x138: {  	vm0 =	veq.f32 v14, v18;
	v21 =	vadd.f32 v7, v26;
	vm1 =	vmor vm1, vm2  }
0x139: {  	vm0 =	vmor vm1, vm0  }
0x13a: {  	vm2 =	veq.f32 v21, v22;
	vm3 =	veq.f32 v21, v23;
	v26 =	vsel vm0, $0xC0800000, v27  }
0x13b: {  	s18 =	scvt.s32.f32 s17;
	s17 =	sadd.s32 $0x10, s17;
	vm1 =	veq.f32 v21, v20;
	vm2 =	vmor vm3, vm2;
	vm0 =	vgt.f32 v26, v24  }
0x13c: {  	_ = 	snop  }
0x13d: {  	v27 =	vmov s18  }
0x13e: {  	v27 =	vbroadcast v27, $0x0  }
0x13f: {  	vm3 =	veq.f32 v21, v19  }
0x140: {  	vm1 =	vmor vm2, vm1;
	vm10 =	veq.f32 v21, v17;
	v27 =	vadd.f32 v7, v27  }
0x141: {  	vm11 =	veq.f32 v21, v16;
	vm4 =	veq.f32 v21, v15;
	vm8 =	veq.f32 v21, v18  }
0x142: {  	s16 =	sadd.s32 $0x10, s16;
	v61 =	vsel vm0, v26, v24;
	vm12 =	veq.f32 v27, v22;
	vm13 =	veq.f32 v27, v23  }
0x143: {  	vm1 =	vmor vm1, vm3;
	v59 =	vld [tilespmem:s16+$0x0];
	vm14 =	veq.f32 v27, v20;
	vm2 =	vmor vm13, vm12  }
0x144: {  	s16 =	sadd.s32 $0x10, s16;
	vm1 =	vmor vm1, vm10;
	vm15 =	veq.f32 v27, v19;
	vm2 =	vmor vm2, vm14  }
0x145: {  	v60 =	vld [tilespmem:s16+$0x0];
	vm1 =	vmor vm1, vm11;
	vm9 =	veq.f32 v27, v17;
	vm2 =	vmor vm2, vm15  }
0x146: {  	vm1 =	vmor vm1, vm4;
	vm10 =	veq.f32 v27, v16;
	vm2 =	vmor vm2, vm9  }
0x147: {  	vm1 =	vmor vm1, vm8;
	vm11 =	veq.f32 v27, v15;
	vm2 =	vmor vm2, vm10  }
0x148: {  	v15 =	vsel vm1, $0xC0800000, v59;
	vm12 =	veq.f32 v27, v18;
	vm2 =	vmor vm2, vm11  }
0x149: {  	vm13 =	vgt.f32 v15, v61;
	vm1 =	vmor vm2, vm12  }
0x14a: {  	v14 =	vsel vm0, v14, v25;
	v15 =	vsel vm13, v15, v61;
	v62 =	vsel vm1, $0xC0800000, v60  }
0x14b: {  	v14 =	vsel vm13, v21, v14;
	vm14 =	vgt.f32 v62, v15  }
0x14c: {  	v15 =	vsel vm14, v62, v15;
	v14 =	vsel vm14, v27, v14  }
0x14d: {  	v16 =	vperm.xlane v15, v9;
	v63 =	vperm.xlane v14, v9;
	_ =	sdelay $0x1  }
0x14e: {  	vm15 =	veq.f32 v16, v15;
	vm4 =	vlt.f32 v63, v14  }
0x14f: {  	vm5 =	vgt.f32 v16, v15;
	vm0 =	vmand vm15, vm4  }
0x150: {  	vm0 =	vmor vm5, vm0  }
0x151: {  	v15 =	vsel vm0, v16, v15;
	v14 =	vsel vm0, v63, v14  }
0x152: {  	v16 =	vperm.xlane v15, v10;
	v17 =	vperm.xlane v14, v10;
	_ =	sdelay $0x1  }
0x153: {  	vm6 =	veq.f32 v16, v15;
	vm7 =	vlt.f32 v17, v14  }
0x154: {  	vm8 =	vgt.f32 v16, v15;
	vm0 =	vmand vm6, vm7  }
0x155: {  	vm0 =	vmor vm8, vm0  }
0x156: {  	v15 =	vsel vm0, v16, v15;
	v14 =	vsel vm0, v17, v14  }
0x157: {  	v16 =	vperm.xlane v15, v11;
	v17 =	vperm.xlane v14, v11;
	_ =	sdelay $0x1  }
0x158: {  	vm9 =	veq.f32 v16, v15;
	vm10 =	vlt.f32 v17, v14  }
0x159: {  	vm11 =	vgt.f32 v16, v15;
	vm0 =	vmand vm9, vm10  }
0x15a: {  	vm0 =	vmor vm11, vm0  }
0x15b: {  	v15 =	vsel vm0, v16, v15;
	v14 =	vsel vm0, v17, v14  }
0x15c: {  	s31 =	scvt.s32.f32 s15;
	s15 =	sadd.s32 $0x1, s15;
	v16 =	vperm.xlane v15, v12;
	v17 =	vperm.xlane v14, v12  }
0x15d: {  	p0 =	sne.s32 s15, $0x8  }
.Ltmp10:
0x15e: {  	vm12 =	veq.f32 v16, v15;
	vm13 =	vlt.f32 v17, v14;
	(pc) =	sbr.rel @p0 .LBB2_21-.Ltmp10, $4  }
0x15f: {  	vm14 =	vgt.f32 v16, v15;
	vm0 =	vmand vm12, vm13  }
0x160: {  	v15 =	vmov s31;
	vm0 =	vmor vm14, vm0  }
0x161: {  	vm15 =	veq.f32 v15, v7;
	v14 =	vsel vm0, v17, v14  }
0x162: {  	v13 =	vsel vm15, v14, v13  }
0x163: {  	s13 =	sshll.u32 s13, $0xA  }
0x164: {  	v13 =	vtrunc.f32 v13;
	s13 =	sor.u32 s14, s13  }
0x165: {  	s12 =	sadd.s32 $0x1, s12;
	v13 =	vcvt.f32.s32 v13;
	s13 =	sadd.s32 $0x60000, s13  }
0x166: {  	p0 =	sne.s32 s12, $0x20;
	s13 =	sshrl.u32 s13, $0x3  }
.Ltmp11:
0x167: {  	[tilespmem:$0x400] =	vst v13;
	s13 =	sadd.s32 s4, s13;
	(pc) =	sbr.rel @p0 .LBB2_20-.Ltmp11, $4  }
0x168: {  	[hbm4b:s13+s1] =	stream.linear.scatter [tilespmem:s8], [sflag:$0x1], $0x80, $0x38;
	[tilespmem:$0x480] =	vst v63  }
0x169: {  	_ =	swait.ge [sflag:s9], $0x80  }
0x16a: {  	[sflag:s9] =	ssyncset.done $0x0  }
0x16b: {  	[sflag:s9] =	ssyncadd.s32 $0xFFFFFF80  }
0x16c: {  	s10 =	sadd.s32 $0x1, s10  }
0x16d: {  	p0 =	sne.s32 s10, s6  }
.Ltmp12:
0x16e: {  	_ = 	snop;
	(pc) =	sbr.rel @p0 .LBB2_1-.Ltmp12, $1  }
0x16f: {  	_ =	sdelay $0x3  }
0x170: {  	_ =	sfence.sel $0x180000  }
0x171: {  	[bflag:$0x0] =	sbarrier.arrive $0xFFFF  }
0x172: {  	p0 =	sne.s32 s3, $0x0;
	_ =	strace $0x90000047  }
0x173: {  	s0 =	sadd.s32 @!p0 $0x100000, s0;
	[bflag:$0x2] =	sbarrier.arrive $0xFFFF  }
0x174: {  	[sflag:s0] =	ssyncadd.tile.s32 @!p0 $0x1;
	_ =	shalt  }
.Lfunc_end2:
_tile_overlayer_lowered:
.L_overlay_start_2:
0x175: {  	(tag) =	ssettag $0x2  }
0x176: {  	s0 =	rddreg [dreg:$0x0];
	s2 =	stileid.u32  }
0x177: {  	s1 =	rddreg [dreg:$0x1];
	p0 =	sne.s32 s2, $0x0  }
0x178: {  	s3 =	rddreg [dreg:$0x2];
	[bflag:$0x3] =	sbarrier.arrive $0xFFFF;
	s2 =	simm.s32 @!p0 $0x1C01  }
0x179: {  	[timem:s3], [sflag:s2] =	dma.local @!p0 [hbm:s0], s1  }
0x17a: {  	s0 =	simm.s32 @!p0 $0x1  }
0x17b: {  	_ =	swait.ge @!p0 [sflag:s0], s1  }
0x17c: {  	s1 =	ssub.s32 @!p0 $0x0, s1;
	[sflag:s0] =	ssyncset.done @!p0 $0x0  }
0x17d: {  	[sflag:s0] =	ssyncadd.s32 @!p0 s1  }
0x17e: {  	[bflag:$0x3] =	sbarrier.arrive $0xFFFF  }
0x17f: {  	_ =	shalt  }

</sc_bundles>
